<compile_context>
chip_gen: v7x
topology: tpu7x:2x2x1
jax: 0.10.2.dev20260603
libtpu: 0.0.44.dev20260713+nightly
codegen_flags: <defaults>
</compile_context>

<pallas_src>
import functools

import jax
import jax.numpy as jnp
from jax import lax
from jax.experimental import pallas as pl
from jax.experimental.pallas import tpu as pltpu
from jax.experimental.pallas import tpu_sc as plsc

B, P, C = 16384, 26, 128
NC, NS, L = 2, 16, 16
NW = NC * NS
ROWS_PER_W = P * B // NW
NR = 256
CHUNKS = ROWS_PER_W // NR
CPB = B // NR


def _body(idx_hbm, out_hbm, idx_v, rows0, rows1, sem_i, sem0, sem1):
    wid = lax.axis_index("s") * NC + lax.axis_index("c")
    g0 = wid * CHUNKS
    p0 = g0 // CPB
    p1 = jnp.minimum(p0 + 1, P - 1)

    pltpu.async_copy(idx_hbm.at[p0], idx_v.at[0], sem_i)
    pltpu.async_copy(idx_hbm.at[p1], idx_v.at[1], sem_i)

    zeros = jnp.zeros((L,), jnp.float32)
    ones = jnp.ones((L,), jnp.float32)
    lanes = lax.iota(jnp.int32, L)

    bufs = (rows0, rows1)
    sems = (sem0, sem1)

    def zero_buf(buf):
        def zrow(i):
            for k in range(C // L):
                buf[i, pl.ds(k * L, L)] = zeros
        pl.loop(0, NR)(zrow)

    def scatter(g, buf, val):
        p = g // CPB
        b0 = (g - p * CPB) * NR

        def srow(j):
            iv = idx_v[p - p0, pl.ds(b0 + j * L, L)]
            plsc.store_scatter(buf, [lanes + j * L, iv], val)
        pl.loop(0, NR // L)(srow)

    def fire(g, buf, sem):
        p = g // CPB
        b0 = (g - p * CPB) * NR
        pltpu.async_copy(buf, out_hbm.at[p, pl.ds(b0, NR)], sem)

    def drain(buf, sem):
        pltpu.make_async_copy(
            buf, out_hbm.at[0, pl.ds(0, NR)], sem).wait()

    def wait_idx():
        for _ in range(2):
            pltpu.make_async_copy(
                idx_hbm.at[0], idx_v.at[0], sem_i).wait()

    zero_buf(rows0)
    wait_idx()
    scatter(g0, rows0, ones)
    fire(g0, rows0, sem0)
    zero_buf(rows1)
    scatter(g0 + 1, rows1, ones)
    fire(g0 + 1, rows1, sem1)

    def step(c):
        for b in range(2):
            g = g0 + c + b
            drain(bufs[b], sems[b])
            scatter(g - 2, bufs[b], zeros)
            scatter(g, bufs[b], ones)
            fire(g, bufs[b], sems[b])

    pl.loop(2, CHUNKS, step=2)(step)

    for b in range(2):
        drain(bufs[b], sems[b])


@functools.partial(jax.jit, static_argnames=())
def kernel(index_feature):
    idx_t = jnp.transpose(index_feature).astype(jnp.int32)
    sc_kernel = pl.kernel(
        _body,
        out_type=jax.ShapeDtypeStruct((P, B, C), jnp.float32),
        mesh=plsc.VectorSubcoreMesh(
            core_axis_name="c", subcore_axis_name="s",
            num_cores=NC, num_subcores=NS),
        compiler_params=pltpu.CompilerParams(needs_layout_passes=False),
        scratch_types=[
            pltpu.VMEM((2, B), jnp.int32),
            pltpu.VMEM((NR, C), jnp.float32),
            pltpu.VMEM((NR, C), jnp.float32),
            pltpu.SemaphoreType.DMA,
            pltpu.SemaphoreType.DMA,
            pltpu.SemaphoreType.DMA,
        ],
    )
    out_pm = sc_kernel(idx_t)
    return jnp.transpose(out_pm, (1, 0, 2))

# --- scband reference (transcript-rebuilt; emitter-appended) ---
"""Pipeline reference for scband-index-onehot-feature-embed-20942260535628 (READ-ONLY COPY).

The authoritative reference and input builder live on the scoring server;
editing this copy changes nothing except your own understanding.
"""

import jax, jax.numpy as jnp
import numpy as np

COLUMN_NUM = 128

def setup_inputs(seed: int = 0) -> dict:
    key = jax.random.key(seed)
    index_feature = jax.random.randint(key, (16384, 26), 0, COLUMN_NUM, dtype=jnp.int64 if jax.config.jax_enable_x64 else jnp.int32)
    return {"index_feature": index_feature}

def reference(index_feature) -> jnp.ndarray:
    # getColumn: F.one_hot(columnId, num_classes=column_num)
    idx = index_feature.astype(jnp.int32)
    index_emb = jax.nn.one_hot(idx, COLUMN_NUM, dtype=jnp.float32)  # [B, P, C]
    # final = index_emb.reshape(shape[0], shape[1], -1)
    final = index_emb.reshape(index_emb.shape[0], index_emb.shape[1], -1)
    final = final.astype(jnp.float32)
    return final

if __name__ == "__main__":
    import jax
    _d = setup_inputs()
    print(jax.jit(kernel)(*tuple(_d.values())))

</pallas_src>

<mosaic_0001>
#map = affine_map<(d0, d1) -> (0, 0)>
#map1 = affine_map<(d0, d1) -> (0, 0, 0)>
module attributes {stable_mosaic.version = 14 : i64} {
  func.func @_body(%arg0: i32, %arg1: i32, %arg2: memref<26x16384xi32, #tpu.memory_space<hbm>>, %arg3: memref<26x16384x128xf32, #tpu.memory_space<hbm>>, %arg4: memref<2x16384xi32, #tpu.memory_space<vmem>>, %arg5: memref<256x128xf32, #tpu.memory_space<vmem>>, %arg6: memref<256x128xf32, #tpu.memory_space<vmem>>, %arg7: memref<!tpu.dma_semaphore, #tpu.memory_space<semaphore_mem>>, %arg8: memref<!tpu.dma_semaphore, #tpu.memory_space<semaphore_mem>>, %arg9: memref<!tpu.dma_semaphore, #tpu.memory_space<semaphore_mem>>) attributes {dimension_semantics = [#tpu.dimension_semantics<core_parallel>, #tpu.dimension_semantics<subcore_parallel>], iteration_bounds = array<i64: 2, 16>, scalar_prefetch = 0 : i64, scratch_operands = 6 : i64, tpu.core_type = #tpu.core_type<sc_vector_subcore>, window_params = [{transform_indices = #map}, {transform_indices = #map1}]} {
    %mul3A = arith.constant 2 : i32
    %mul3A_0 = arith.muli %arg1, %mul3A : i32
    %add3A = arith.addi %mul3A_0, %arg0 : i32
    %mul3A_1 = arith.constant 52 : i32
    %mul3A_2 = arith.muli %add3A, %mul3A_1 : i32
    %jit3A = arith.constant 64 : i32
    %div3A = arith.divsi %mul3A_2, %jit3A : i32
    %sign3A = arith.constant 0 : i32
    %sign3A_3 = arith.cmpi sgt, %mul3A_2, %sign3A : i32
    %sign3A_4 = arith.extui %sign3A_3 : i1 to i32
    %sign3A_5 = arith.constant 0 : i32
    %sign3A_6 = arith.cmpi slt, %mul3A_2, %sign3A_5 : i32
    %sign3A_7 = arith.extui %sign3A_6 : i1 to i32
    %sign3A_8 = arith.subi %sign3A_4, %sign3A_7 : i32
    %sign3A_9 = arith.constant 0 : i32
    %sign3A_10 = arith.cmpi sgt, %jit3A, %sign3A_9 : i32
    %sign3A_11 = arith.extui %sign3A_10 : i1 to i32
    %sign3A_12 = arith.constant 0 : i32
    %sign3A_13 = arith.cmpi slt, %jit3A, %sign3A_12 : i32
    %sign3A_14 = arith.extui %sign3A_13 : i1 to i32
    %sign3A_15 = arith.subi %sign3A_11, %sign3A_14 : i32
    %ne3A = arith.cmpi ne, %sign3A_8, %sign3A_15 : i32
    %rem3A = arith.remsi %mul3A_2, %jit3A : i32
    %ne3A_16 = arith.constant 0 : i32
    %ne3A_17 = arith.cmpi ne, %rem3A, %ne3A_16 : i32
    %and3A = arith.andi %ne3A, %ne3A_17 : i1
    %sub3A = arith.constant 1 : i32
    %sub3A_18 = arith.subi %div3A, %sub3A : i32
    %select_n3A = arith.select %and3A, %sub3A_18, %div3A : i32
    %add3A_19 = arith.constant 1 : i32
    %add3A_20 = arith.addi %select_n3A, %add3A_19 : i32
    %min3A = arith.constant 25 : i32
    %min3A_21 = arith.minsi %add3A_20, %min3A : i32
    %dma_start3A = arith.constant 0 : i32
    %dma_start3A_22 = arith.constant 0 : i32
    %dma_start3A_23 = tpu.memref_slice %arg4[%dma_start3A, %dma_start3A_22] : memref<2x16384xi32, #tpu.memory_space<vmem>> -> memref<1x16384xi32, #tpu.memory_space<vmem>>
    %dma_start3A_24 = tpu.memref_squeeze %dma_start3A_23 : memref<1x16384xi32, #tpu.memory_space<vmem>> -> memref<16384xi32, #tpu.memory_space<vmem>>
    %dma_start3A_25 = arith.constant 0 : i32
    %dma_start3A_26 = tpu.memref_slice %arg2[%select_n3A, %dma_start3A_25] : memref<26x16384xi32, #tpu.memory_space<hbm>> -> memref<1x16384xi32, #tpu.memory_space<hbm>>
    %dma_start3A_27 = tpu.memref_squeeze %dma_start3A_26 : memref<1x16384xi32, #tpu.memory_space<hbm>> -> memref<16384xi32, #tpu.memory_space<hbm>>
    %dma_start3A_28 = arith.constant 0 : i32
    %dma_start3A_29 = tpu.memref_slice %arg4[%dma_start3A, %dma_start3A_28] : memref<2x16384xi32, #tpu.memory_space<vmem>> -> memref<1x16384xi32, #tpu.memory_space<vmem>>
    %dma_start3A_30 = tpu.memref_squeeze %dma_start3A_29 : memref<1x16384xi32, #tpu.memory_space<vmem>> -> memref<16384xi32, #tpu.memory_space<vmem>>
    %dma_start3A_31 = arith.constant 0 : i32
    %dma_start3A_32 = tpu.memref_slice %arg2[%select_n3A, %dma_start3A_31] : memref<26x16384xi32, #tpu.memory_space<hbm>> -> memref<1x16384xi32, #tpu.memory_space<hbm>>
    %dma_start3A_33 = tpu.memref_squeeze %dma_start3A_32 : memref<1x16384xi32, #tpu.memory_space<hbm>> -> memref<16384xi32, #tpu.memory_space<hbm>>
    tpu.enqueue_dma source(%dma_start3A_33 : memref<16384xi32, #tpu.memory_space<hbm>>) target(%dma_start3A_30 : memref<16384xi32, #tpu.memory_space<vmem>>) target_semaphore(%arg7 : memref<!tpu.dma_semaphore, #tpu.memory_space<semaphore_mem>>)
    %dma_start3A_34 = arith.constant 1 : i32
    %dma_start3A_35 = arith.constant 0 : i32
    %dma_start3A_36 = tpu.memref_slice %arg4[%dma_start3A_34, %dma_start3A_35] : memref<2x16384xi32, #tpu.memory_space<vmem>> -> memref<1x16384xi32, #tpu.memory_space<vmem>>
    %dma_start3A_37 = tpu.memref_squeeze %dma_start3A_36 : memref<1x16384xi32, #tpu.memory_space<vmem>> -> memref<16384xi32, #tpu.memory_space<vmem>>
    %dma_start3A_38 = arith.constant 0 : i32
    %dma_start3A_39 = tpu.memref_slice %arg2[%min3A_21, %dma_start3A_38] : memref<26x16384xi32, #tpu.memory_space<hbm>> -> memref<1x16384xi32, #tpu.memory_space<hbm>>
    %dma_start3A_40 = tpu.memref_squeeze %dma_start3A_39 : memref<1x16384xi32, #tpu.memory_space<hbm>> -> memref<16384xi32, #tpu.memory_space<hbm>>
    %dma_start3A_41 = arith.constant 0 : i32
    %dma_start3A_42 = tpu.memref_slice %arg4[%dma_start3A_34, %dma_start3A_41] : memref<2x16384xi32, #tpu.memory_space<vmem>> -> memref<1x16384xi32, #tpu.memory_space<vmem>>
    %dma_start3A_43 = tpu.memref_squeeze %dma_start3A_42 : memref<1x16384xi32, #tpu.memory_space<vmem>> -> memref<16384xi32, #tpu.memory_space<vmem>>
    %dma_start3A_44 = arith.constant 0 : i32
    %dma_start3A_45 = tpu.memref_slice %arg2[%min3A_21, %dma_start3A_44] : memref<26x16384xi32, #tpu.memory_space<hbm>> -> memref<1x16384xi32, #tpu.memory_space<hbm>>
    %dma_start3A_46 = tpu.memref_squeeze %dma_start3A_45 : memref<1x16384xi32, #tpu.memory_space<hbm>> -> memref<16384xi32, #tpu.memory_space<hbm>>
    tpu.enqueue_dma source(%dma_start3A_46 : memref<16384xi32, #tpu.memory_space<hbm>>) target(%dma_start3A_43 : memref<16384xi32, #tpu.memory_space<vmem>>) target_semaphore(%arg7 : memref<!tpu.dma_semaphore, #tpu.memory_space<semaphore_mem>>)
    %broadcast_in_dim3A = arith.constant 0.000000e+00 : f32
    %broadcast_in_dim3A_47 = vector.broadcast %broadcast_in_dim3A : f32 to vector<16xf32>
    %broadcast_in_dim3A_48 = arith.constant 1.000000e+00 : f32
    %broadcast_in_dim3A_49 = vector.broadcast %broadcast_in_dim3A_48 : f32 to vector<16xf32>
    %iota3A = tpu.iota {dimensions = array<i32: 0>} : vector<16xi32>
    %scan3A = arith.constant 0 : i32
    %scan3A_50 = arith.constant 256 : i32
    %scan3A_51 = arith.addi %scan3A, %scan3A_50 : i32
    %scan3A_52 = arith.constant 1 : i32
    scf.for %scan3A_251 = %scan3A to %scan3A_51 step %scan3A_52  : i32 {
      %mul3A_252 = arith.constant 1 : i32
      %mul3A_253 = arith.muli %scan3A_251, %mul3A_252 : i32
      %add3A_254 = arith.constant 0 : i32
      %add3A_255 = arith.addi %add3A_254, %mul3A_253 : i32
      %swap3A = arith.index_cast %add3A_255 : i32 to index
      %swap3A_256 = arith.constant 0 : index
      %swap3A_257 = tpu.vector_load %arg5[%swap3A, %swap3A_256] {strides = array<i32>} : memref<256x128xf32, #tpu.memory_space<vmem>>, vector<16xf32>,
      tpu.vector_store %arg5[%swap3A, %swap3A_256], %broadcast_in_dim3A_47 {strides = array<i32>} : memref<256x128xf32, #tpu.memory_space<vmem>>, vector<16xf32>,
      %swap3A_258 = arith.index_cast %add3A_255 : i32 to index
      %swap3A_259 = arith.constant 16 : index
      %swap3A_260 = tpu.vector_load %arg5[%swap3A_258, %swap3A_259] {strides = array<i32>} : memref<256x128xf32, #tpu.memory_space<vmem>>, vector<16xf32>,
      tpu.vector_store %arg5[%swap3A_258, %swap3A_259], %broadcast_in_dim3A_47 {strides = array<i32>} : memref<256x128xf32, #tpu.memory_space<vmem>>, vector<16xf32>,
      %swap3A_261 = arith.index_cast %add3A_255 : i32 to index
      %swap3A_262 = arith.constant 32 : index
      %swap3A_263 = tpu.vector_load %arg5[%swap3A_261, %swap3A_262] {strides = array<i32>} : memref<256x128xf32, #tpu.memory_space<vmem>>, vector<16xf32>,
      tpu.vector_store %arg5[%swap3A_261, %swap3A_262], %broadcast_in_dim3A_47 {strides = array<i32>} : memref<256x128xf32, #tpu.memory_space<vmem>>, vector<16xf32>,
      %swap3A_264 = arith.index_cast %add3A_255 : i32 to index
      %swap3A_265 = arith.constant 48 : index
      %swap3A_266 = tpu.vector_load %arg5[%swap3A_264, %swap3A_265] {strides = array<i32>} : memref<256x128xf32, #tpu.memory_space<vmem>>, vector<16xf32>,
      tpu.vector_store %arg5[%swap3A_264, %swap3A_265], %broadcast_in_dim3A_47 {strides = array<i32>} : memref<256x128xf32, #tpu.memory_space<vmem>>, vector<16xf32>,
      %swap3A_267 = arith.index_cast %add3A_255 : i32 to index
      %swap3A_268 = arith.constant 64 : index
      %swap3A_269 = tpu.vector_load %arg5[%swap3A_267, %swap3A_268] {strides = array<i32>} : memref<256x128xf32, #tpu.memory_space<vmem>>, vector<16xf32>,
      tpu.vector_store %arg5[%swap3A_267, %swap3A_268], %broadcast_in_dim3A_47 {strides = array<i32>} : memref<256x128xf32, #tpu.memory_space<vmem>>, vector<16xf32>,
      %swap3A_270 = arith.index_cast %add3A_255 : i32 to index
      %swap3A_271 = arith.constant 80 : index
      %swap3A_272 = tpu.vector_load %arg5[%swap3A_270, %swap3A_271] {strides = array<i32>} : memref<256x128xf32, #tpu.memory_space<vmem>>, vector<16xf32>,
      tpu.vector_store %arg5[%swap3A_270, %swap3A_271], %broadcast_in_dim3A_47 {strides = array<i32>} : memref<256x128xf32, #tpu.memory_space<vmem>>, vector<16xf32>,
      %swap3A_273 = arith.index_cast %add3A_255 : i32 to index
      %swap3A_274 = arith.constant 96 : index
      %swap3A_275 = tpu.vector_load %arg5[%swap3A_273, %swap3A_274] {strides = array<i32>} : memref<256x128xf32, #tpu.memory_space<vmem>>, vector<16xf32>,
      tpu.vector_store %arg5[%swap3A_273, %swap3A_274], %broadcast_in_dim3A_47 {strides = array<i32>} : memref<256x128xf32, #tpu.memory_space<vmem>>, vector<16xf32>,
      %swap3A_276 = arith.index_cast %add3A_255 : i32 to index
      %swap3A_277 = arith.constant 112 : index
      %swap3A_278 = tpu.vector_load %arg5[%swap3A_276, %swap3A_277] {strides = array<i32>} : memref<256x128xf32, #tpu.memory_space<vmem>>, vector<16xf32>,
      tpu.vector_store %arg5[%swap3A_276, %swap3A_277], %broadcast_in_dim3A_47 {strides = array<i32>} : memref<256x128xf32, #tpu.memory_space<vmem>>, vector<16xf32>,
    }
    %scan3A_53 = arith.constant 256 : i32
    %dma_wait3A = arith.constant 0 : i32
    %dma_wait3A_54 = arith.constant 0 : i32
    %dma_wait3A_55 = arith.constant 0 : i32
    %dma_wait3A_56 = tpu.memref_slice %arg4[%dma_wait3A_54, %dma_wait3A_55] : memref<2x16384xi32, #tpu.memory_space<vmem>> -> memref<1x16384xi32, #tpu.memory_space<vmem>>
    %dma_wait3A_57 = tpu.memref_squeeze %dma_wait3A_56 : memref<1x16384xi32, #tpu.memory_space<vmem>> -> memref<16384xi32, #tpu.memory_space<vmem>>
    %dma_wait3A_58 = arith.constant 0 : i32
    %dma_wait3A_59 = tpu.memref_slice %arg2[%dma_wait3A, %dma_wait3A_58] : memref<26x16384xi32, #tpu.memory_space<hbm>> -> memref<1x16384xi32, #tpu.memory_space<hbm>>
    %dma_wait3A_60 = tpu.memref_squeeze %dma_wait3A_59 : memref<1x16384xi32, #tpu.memory_space<hbm>> -> memref<16384xi32, #tpu.memory_space<hbm>>
    %dma_wait3A_61 = arith.constant 0 : i32
    %dma_wait3A_62 = tpu.memref_slice %arg4[%dma_wait3A_54, %dma_wait3A_61] : memref<2x16384xi32, #tpu.memory_space<vmem>> -> memref<1x16384xi32, #tpu.memory_space<vmem>>
    %dma_wait3A_63 = tpu.memref_squeeze %dma_wait3A_62 : memref<1x16384xi32, #tpu.memory_space<vmem>> -> memref<16384xi32, #tpu.memory_space<vmem>>
    %dma_wait3A_64 = arith.constant 0 : i32
    %dma_wait3A_65 = tpu.memref_slice %arg2[%dma_wait3A, %dma_wait3A_64] : memref<26x16384xi32, #tpu.memory_space<hbm>> -> memref<1x16384xi32, #tpu.memory_space<hbm>>
    %dma_wait3A_66 = tpu.memref_squeeze %dma_wait3A_65 : memref<1x16384xi32, #tpu.memory_space<hbm>> -> memref<16384xi32, #tpu.memory_space<hbm>>
    tpu.wait_dma2 semaphore(%arg7 : memref<!tpu.dma_semaphore, #tpu.memory_space<semaphore_mem>>) src(%dma_wait3A_66 : memref<16384xi32, #tpu.memory_space<hbm>>) dst(%dma_wait3A_63 : memref<16384xi32, #tpu.memory_space<vmem>>)
    %dma_wait3A_67 = arith.constant 0 : i32
    %dma_wait3A_68 = arith.constant 0 : i32
    %dma_wait3A_69 = arith.constant 0 : i32
    %dma_wait3A_70 = tpu.memref_slice %arg4[%dma_wait3A_68, %dma_wait3A_69] : memref<2x16384xi32, #tpu.memory_space<vmem>> -> memref<1x16384xi32, #tpu.memory_space<vmem>>
    %dma_wait3A_71 = tpu.memref_squeeze %dma_wait3A_70 : memref<1x16384xi32, #tpu.memory_space<vmem>> -> memref<16384xi32, #tpu.memory_space<vmem>>
    %dma_wait3A_72 = arith.constant 0 : i32
    %dma_wait3A_73 = tpu.memref_slice %arg2[%dma_wait3A_67, %dma_wait3A_72] : memref<26x16384xi32, #tpu.memory_space<hbm>> -> memref<1x16384xi32, #tpu.memory_space<hbm>>
    %dma_wait3A_74 = tpu.memref_squeeze %dma_wait3A_73 : memref<1x16384xi32, #tpu.memory_space<hbm>> -> memref<16384xi32, #tpu.memory_space<hbm>>
    %dma_wait3A_75 = arith.constant 0 : i32
    %dma_wait3A_76 = tpu.memref_slice %arg4[%dma_wait3A_68, %dma_wait3A_75] : memref<2x16384xi32, #tpu.memory_space<vmem>> -> memref<1x16384xi32, #tpu.memory_space<vmem>>
    %dma_wait3A_77 = tpu.memref_squeeze %dma_wait3A_76 : memref<1x16384xi32, #tpu.memory_space<vmem>> -> memref<16384xi32, #tpu.memory_space<vmem>>
    %dma_wait3A_78 = arith.constant 0 : i32
    %dma_wait3A_79 = tpu.memref_slice %arg2[%dma_wait3A_67, %dma_wait3A_78] : memref<26x16384xi32, #tpu.memory_space<hbm>> -> memref<1x16384xi32, #tpu.memory_space<hbm>>
    %dma_wait3A_80 = tpu.memref_squeeze %dma_wait3A_79 : memref<1x16384xi32, #tpu.memory_space<hbm>> -> memref<16384xi32, #tpu.memory_space<hbm>>
    tpu.wait_dma2 semaphore(%arg7 : memref<!tpu.dma_semaphore, #tpu.memory_space<semaphore_mem>>) src(%dma_wait3A_80 : memref<16384xi32, #tpu.memory_space<hbm>>) dst(%dma_wait3A_77 : memref<16384xi32, #tpu.memory_space<vmem>>)
    %jit3A_81 = arith.constant 64 : i32
    %div3A_82 = arith.divsi %mul3A_2, %jit3A_81 : i32
    %sign3A_83 = arith.constant 0 : i32
    %sign3A_84 = arith.cmpi sgt, %mul3A_2, %sign3A_83 : i32
    %sign3A_85 = arith.extui %sign3A_84 : i1 to i32
    %sign3A_86 = arith.constant 0 : i32
    %sign3A_87 = arith.cmpi slt, %mul3A_2, %sign3A_86 : i32
    %sign3A_88 = arith.extui %sign3A_87 : i1 to i32
    %sign3A_89 = arith.subi %sign3A_85, %sign3A_88 : i32
    %sign3A_90 = arith.constant 0 : i32
    %sign3A_91 = arith.cmpi sgt, %jit3A_81, %sign3A_90 : i32
    %sign3A_92 = arith.extui %sign3A_91 : i1 to i32
    %sign3A_93 = arith.constant 0 : i32
    %sign3A_94 = arith.cmpi slt, %jit3A_81, %sign3A_93 : i32
    %sign3A_95 = arith.extui %sign3A_94 : i1 to i32
    %sign3A_96 = arith.subi %sign3A_92, %sign3A_95 : i32
    %ne3A_97 = arith.cmpi ne, %sign3A_89, %sign3A_96 : i32
    %rem3A_98 = arith.remsi %mul3A_2, %jit3A_81 : i32
    %ne3A_99 = arith.constant 0 : i32
    %ne3A_100 = arith.cmpi ne, %rem3A_98, %ne3A_99 : i32
    %and3A_101 = arith.andi %ne3A_97, %ne3A_100 : i1
    %sub3A_102 = arith.constant 1 : i32
    %sub3A_103 = arith.subi %div3A_82, %sub3A_102 : i32
    %select_n3A_104 = arith.select %and3A_101, %sub3A_103, %div3A_82 : i32
    %mul3A_105 = arith.constant 64 : i32
    %mul3A_106 = arith.muli %select_n3A_104, %mul3A_105 : i32
    %sub3A_107 = arith.subi %mul3A_2, %mul3A_106 : i32
    %mul3A_108 = arith.constant 256 : i32
    %mul3A_109 = arith.muli %sub3A_107, %mul3A_108 : i32
    %scan3A_110 = arith.constant 0 : i32
    %scan3A_111 = arith.constant 16 : i32
    %scan3A_112 = arith.addi %scan3A_110, %scan3A_111 : i32
    %scan3A_113 = arith.constant 1 : i32
    scf.for %scan3A_251 = %scan3A_110 to %scan3A_112 step %scan3A_113  : i32 {
      %mul3A_252 = arith.constant 1 : i32
      %mul3A_253 = arith.muli %scan3A_251, %mul3A_252 : i32
      %add3A_254 = arith.constant 0 : i32
      %add3A_255 = arith.addi %add3A_254, %mul3A_253 : i32
      %sub3A_256 = arith.subi %select_n3A_104, %select_n3A : i32
      %mul3A_257 = arith.constant 16 : i32
      %mul3A_258 = arith.muli %add3A_255, %mul3A_257 : i32
      %add3A_259 = arith.addi %mul3A_109, %mul3A_258 : i32
      %get3A = arith.index_cast %sub3A_256 : i32 to index
      %get3A_260 = arith.index_cast %add3A_259 : i32 to index
      %get3A_261 = tpu.vector_load %arg4[%get3A, %get3A_260] {strides = array<i32>} : memref<2x16384xi32, #tpu.memory_space<vmem>>, vector<16xi32>,
      %mul3A_262 = arith.constant 16 : i32
      %mul3A_263 = arith.muli %add3A_255, %mul3A_262 : i32
      %add3A_264 = vector.broadcast %mul3A_263 : i32 to vector<16xi32>
      %add3A_265 = arith.addi %iota3A, %add3A_264 : vector<16xi32>
      tpu.vector_store_idx %arg5[%add3A_265, %get3A_261], %broadcast_in_dim3A_49 : memref<256x128xf32, #tpu.memory_space<vmem>>[vector<16xi32>, vector<16xi32>], vector<16xf32>,
    }
    %scan3A_114 = arith.constant 16 : i32
    %jit3A_115 = arith.constant 64 : i32
    %div3A_116 = arith.divsi %mul3A_2, %jit3A_115 : i32
    %sign3A_117 = arith.constant 0 : i32
    %sign3A_118 = arith.cmpi sgt, %mul3A_2, %sign3A_117 : i32
    %sign3A_119 = arith.extui %sign3A_118 : i1 to i32
    %sign3A_120 = arith.constant 0 : i32
    %sign3A_121 = arith.cmpi slt, %mul3A_2, %sign3A_120 : i32
    %sign3A_122 = arith.extui %sign3A_121 : i1 to i32
    %sign3A_123 = arith.subi %sign3A_119, %sign3A_122 : i32
    %sign3A_124 = arith.constant 0 : i32
    %sign3A_125 = arith.cmpi sgt, %jit3A_115, %sign3A_124 : i32
    %sign3A_126 = arith.extui %sign3A_125 : i1 to i32
    %sign3A_127 = arith.constant 0 : i32
    %sign3A_128 = arith.cmpi slt, %jit3A_115, %sign3A_127 : i32
    %sign3A_129 = arith.extui %sign3A_128 : i1 to i32
    %sign3A_130 = arith.subi %sign3A_126, %sign3A_129 : i32
    %ne3A_131 = arith.cmpi ne, %sign3A_123, %sign3A_130 : i32
    %rem3A_132 = arith.remsi %mul3A_2, %jit3A_115 : i32
    %ne3A_133 = arith.constant 0 : i32
    %ne3A_134 = arith.cmpi ne, %rem3A_132, %ne3A_133 : i32
    %and3A_135 = arith.andi %ne3A_131, %ne3A_134 : i1
    %sub3A_136 = arith.constant 1 : i32
    %sub3A_137 = arith.subi %div3A_116, %sub3A_136 : i32
    %select_n3A_138 = arith.select %and3A_135, %sub3A_137, %div3A_116 : i32
    %mul3A_139 = arith.constant 64 : i32
    %mul3A_140 = arith.muli %select_n3A_138, %mul3A_139 : i32
    %sub3A_141 = arith.subi %mul3A_2, %mul3A_140 : i32
    %mul3A_142 = arith.constant 256 : i32
    %mul3A_143 = arith.muli %sub3A_141, %mul3A_142 : i32
    %dma_start3A_144 = arith.constant 0 : i32
    %dma_start3A_145 = tpu.memref_slice %arg3[%select_n3A_138, %mul3A_143, %dma_start3A_144] : memref<26x16384x128xf32, #tpu.memory_space<hbm>> -> memref<1x256x128xf32, #tpu.memory_space<hbm>>
    %dma_start3A_146 = tpu.memref_squeeze %dma_start3A_145 : memref<1x256x128xf32, #tpu.memory_space<hbm>> -> memref<256x128xf32, #tpu.memory_space<hbm>>
    %dma_start3A_147 = arith.constant 0 : i32
    %dma_start3A_148 = tpu.memref_slice %arg3[%select_n3A_138, %mul3A_143, %dma_start3A_147] : memref<26x16384x128xf32, #tpu.memory_space<hbm>> -> memref<1x256x128xf32, #tpu.memory_space<hbm>>
    %dma_start3A_149 = tpu.memref_squeeze %dma_start3A_148 : memref<1x256x128xf32, #tpu.memory_space<hbm>> -> memref<256x128xf32, #tpu.memory_space<hbm>>
    tpu.enqueue_dma source(%arg5 : memref<256x128xf32, #tpu.memory_space<vmem>>) target(%dma_start3A_149 : memref<256x128xf32, #tpu.memory_space<hbm>>) target_semaphore(%arg8 : memref<!tpu.dma_semaphore, #tpu.memory_space<semaphore_mem>>)
    %scan3A_150 = arith.constant 0 : i32
    %scan3A_151 = arith.constant 256 : i32
    %scan3A_152 = arith.addi %scan3A_150, %scan3A_151 : i32
    %scan3A_153 = arith.constant 1 : i32
    scf.for %scan3A_251 = %scan3A_150 to %scan3A_152 step %scan3A_153  : i32 {
      %mul3A_252 = arith.constant 1 : i32
      %mul3A_253 = arith.muli %scan3A_251, %mul3A_252 : i32
      %add3A_254 = arith.constant 0 : i32
      %add3A_255 = arith.addi %add3A_254, %mul3A_253 : i32
      %swap3A = arith.index_cast %add3A_255 : i32 to index
      %swap3A_256 = arith.constant 0 : index
      %swap3A_257 = tpu.vector_load %arg6[%swap3A, %swap3A_256] {strides = array<i32>} : memref<256x128xf32, #tpu.memory_space<vmem>>, vector<16xf32>,
      tpu.vector_store %arg6[%swap3A, %swap3A_256], %broadcast_in_dim3A_47 {strides = array<i32>} : memref<256x128xf32, #tpu.memory_space<vmem>>, vector<16xf32>,
      %swap3A_258 = arith.index_cast %add3A_255 : i32 to index
      %swap3A_259 = arith.constant 16 : index
      %swap3A_260 = tpu.vector_load %arg6[%swap3A_258, %swap3A_259] {strides = array<i32>} : memref<256x128xf32, #tpu.memory_space<vmem>>, vector<16xf32>,
      tpu.vector_store %arg6[%swap3A_258, %swap3A_259], %broadcast_in_dim3A_47 {strides = array<i32>} : memref<256x128xf32, #tpu.memory_space<vmem>>, vector<16xf32>,
      %swap3A_261 = arith.index_cast %add3A_255 : i32 to index
      %swap3A_262 = arith.constant 32 : index
      %swap3A_263 = tpu.vector_load %arg6[%swap3A_261, %swap3A_262] {strides = array<i32>} : memref<256x128xf32, #tpu.memory_space<vmem>>, vector<16xf32>,
      tpu.vector_store %arg6[%swap3A_261, %swap3A_262], %broadcast_in_dim3A_47 {strides = array<i32>} : memref<256x128xf32, #tpu.memory_space<vmem>>, vector<16xf32>,
      %swap3A_264 = arith.index_cast %add3A_255 : i32 to index
      %swap3A_265 = arith.constant 48 : index
      %swap3A_266 = tpu.vector_load %arg6[%swap3A_264, %swap3A_265] {strides = array<i32>} : memref<256x128xf32, #tpu.memory_space<vmem>>, vector<16xf32>,
      tpu.vector_store %arg6[%swap3A_264, %swap3A_265], %broadcast_in_dim3A_47 {strides = array<i32>} : memref<256x128xf32, #tpu.memory_space<vmem>>, vector<16xf32>,
      %swap3A_267 = arith.index_cast %add3A_255 : i32 to index
      %swap3A_268 = arith.constant 64 : index
      %swap3A_269 = tpu.vector_load %arg6[%swap3A_267, %swap3A_268] {strides = array<i32>} : memref<256x128xf32, #tpu.memory_space<vmem>>, vector<16xf32>,
      tpu.vector_store %arg6[%swap3A_267, %swap3A_268], %broadcast_in_dim3A_47 {strides = array<i32>} : memref<256x128xf32, #tpu.memory_space<vmem>>, vector<16xf32>,
      %swap3A_270 = arith.index_cast %add3A_255 : i32 to index
      %swap3A_271 = arith.constant 80 : index
      %swap3A_272 = tpu.vector_load %arg6[%swap3A_270, %swap3A_271] {strides = array<i32>} : memref<256x128xf32, #tpu.memory_space<vmem>>, vector<16xf32>,
      tpu.vector_store %arg6[%swap3A_270, %swap3A_271], %broadcast_in_dim3A_47 {strides = array<i32>} : memref<256x128xf32, #tpu.memory_space<vmem>>, vector<16xf32>,
      %swap3A_273 = arith.index_cast %add3A_255 : i32 to index
      %swap3A_274 = arith.constant 96 : index
      %swap3A_275 = tpu.vector_load %arg6[%swap3A_273, %swap3A_274] {strides = array<i32>} : memref<256x128xf32, #tpu.memory_space<vmem>>, vector<16xf32>,
      tpu.vector_store %arg6[%swap3A_273, %swap3A_274], %broadcast_in_dim3A_47 {strides = array<i32>} : memref<256x128xf32, #tpu.memory_space<vmem>>, vector<16xf32>,
      %swap3A_276 = arith.index_cast %add3A_255 : i32 to index
      %swap3A_277 = arith.constant 112 : index
      %swap3A_278 = tpu.vector_load %arg6[%swap3A_276, %swap3A_277] {strides = array<i32>} : memref<256x128xf32, #tpu.memory_space<vmem>>, vector<16xf32>,
      tpu.vector_store %arg6[%swap3A_276, %swap3A_277], %broadcast_in_dim3A_47 {strides = array<i32>} : memref<256x128xf32, #tpu.memory_space<vmem>>, vector<16xf32>,
    }
    %scan3A_154 = arith.constant 256 : i32
    %add3A_155 = arith.constant 1 : i32
    %add3A_156 = arith.addi %mul3A_2, %add3A_155 : i32
    %jit3A_157 = arith.constant 64 : i32
    %div3A_158 = arith.divsi %add3A_156, %jit3A_157 : i32
    %sign3A_159 = arith.constant 0 : i32
    %sign3A_160 = arith.cmpi sgt, %add3A_156, %sign3A_159 : i32
    %sign3A_161 = arith.extui %sign3A_160 : i1 to i32
    %sign3A_162 = arith.constant 0 : i32
    %sign3A_163 = arith.cmpi slt, %add3A_156, %sign3A_162 : i32
    %sign3A_164 = arith.extui %sign3A_163 : i1 to i32
    %sign3A_165 = arith.subi %sign3A_161, %sign3A_164 : i32
    %sign3A_166 = arith.constant 0 : i32
    %sign3A_167 = arith.cmpi sgt, %jit3A_157, %sign3A_166 : i32
    %sign3A_168 = arith.extui %sign3A_167 : i1 to i32
    %sign3A_169 = arith.constant 0 : i32
    %sign3A_170 = arith.cmpi slt, %jit3A_157, %sign3A_169 : i32
    %sign3A_171 = arith.extui %sign3A_170 : i1 to i32
    %sign3A_172 = arith.subi %sign3A_168, %sign3A_171 : i32
    %ne3A_173 = arith.cmpi ne, %sign3A_165, %sign3A_172 : i32
    %rem3A_174 = arith.remsi %add3A_156, %jit3A_157 : i32
    %ne3A_175 = arith.constant 0 : i32
    %ne3A_176 = arith.cmpi ne, %rem3A_174, %ne3A_175 : i32
    %and3A_177 = arith.andi %ne3A_173, %ne3A_176 : i1
    %sub3A_178 = arith.constant 1 : i32
    %sub3A_179 = arith.subi %div3A_158, %sub3A_178 : i32
    %select_n3A_180 = arith.select %and3A_177, %sub3A_179, %div3A_158 : i32
    %mul3A_181 = arith.constant 64 : i32
    %mul3A_182 = arith.muli %select_n3A_180, %mul3A_181 : i32
    %sub3A_183 = arith.subi %add3A_156, %mul3A_182 : i32
    %mul3A_184 = arith.constant 256 : i32
    %mul3A_185 = arith.muli %sub3A_183, %mul3A_184 : i32
    %scan3A_186 = arith.constant 0 : i32
    %scan3A_187 = arith.constant 16 : i32
    %scan3A_188 = arith.addi %scan3A_186, %scan3A_187 : i32
    %scan3A_189 = arith.constant 1 : i32
    scf.for %scan3A_251 = %scan3A_186 to %scan3A_188 step %scan3A_189  : i32 {
      %mul3A_252 = arith.constant 1 : i32
      %mul3A_253 = arith.muli %scan3A_251, %mul3A_252 : i32
      %add3A_254 = arith.constant 0 : i32
      %add3A_255 = arith.addi %add3A_254, %mul3A_253 : i32
      %sub3A_256 = arith.subi %select_n3A_180, %select_n3A : i32
      %mul3A_257 = arith.constant 16 : i32
      %mul3A_258 = arith.muli %add3A_255, %mul3A_257 : i32
      %add3A_259 = arith.addi %mul3A_185, %mul3A_258 : i32
      %get3A = arith.index_cast %sub3A_256 : i32 to index
      %get3A_260 = arith.index_cast %add3A_259 : i32 to index
      %get3A_261 = tpu.vector_load %arg4[%get3A, %get3A_260] {strides = array<i32>} : memref<2x16384xi32, #tpu.memory_space<vmem>>, vector<16xi32>,
      %mul3A_262 = arith.constant 16 : i32
      %mul3A_263 = arith.muli %add3A_255, %mul3A_262 : i32
      %add3A_264 = vector.broadcast %mul3A_263 : i32 to vector<16xi32>
      %add3A_265 = arith.addi %iota3A, %add3A_264 : vector<16xi32>
      tpu.vector_store_idx %arg6[%add3A_265, %get3A_261], %broadcast_in_dim3A_49 : memref<256x128xf32, #tpu.memory_space<vmem>>[vector<16xi32>, vector<16xi32>], vector<16xf32>,
    }
    %scan3A_190 = arith.constant 16 : i32
    %add3A_191 = arith.constant 1 : i32
    %add3A_192 = arith.addi %mul3A_2, %add3A_191 : i32
    %jit3A_193 = arith.constant 64 : i32
    %div3A_194 = arith.divsi %add3A_192, %jit3A_193 : i32
    %sign3A_195 = arith.constant 0 : i32
    %sign3A_196 = arith.cmpi sgt, %add3A_192, %sign3A_195 : i32
    %sign3A_197 = arith.extui %sign3A_196 : i1 to i32
    %sign3A_198 = arith.constant 0 : i32
    %sign3A_199 = arith.cmpi slt, %add3A_192, %sign3A_198 : i32
    %sign3A_200 = arith.extui %sign3A_199 : i1 to i32
    %sign3A_201 = arith.subi %sign3A_197, %sign3A_200 : i32
    %sign3A_202 = arith.constant 0 : i32
    %sign3A_203 = arith.cmpi sgt, %jit3A_193, %sign3A_202 : i32
    %sign3A_204 = arith.extui %sign3A_203 : i1 to i32
    %sign3A_205 = arith.constant 0 : i32
    %sign3A_206 = arith.cmpi slt, %jit3A_193, %sign3A_205 : i32
    %sign3A_207 = arith.extui %sign3A_206 : i1 to i32
    %sign3A_208 = arith.subi %sign3A_204, %sign3A_207 : i32
    %ne3A_209 = arith.cmpi ne, %sign3A_201, %sign3A_208 : i32
    %rem3A_210 = arith.remsi %add3A_192, %jit3A_193 : i32
    %ne3A_211 = arith.constant 0 : i32
    %ne3A_212 = arith.cmpi ne, %rem3A_210, %ne3A_211 : i32
    %and3A_213 = arith.andi %ne3A_209, %ne3A_212 : i1
    %sub3A_214 = arith.constant 1 : i32
    %sub3A_215 = arith.subi %div3A_194, %sub3A_214 : i32
    %select_n3A_216 = arith.select %and3A_213, %sub3A_215, %div3A_194 : i32
    %mul3A_217 = arith.constant 64 : i32
    %mul3A_218 = arith.muli %select_n3A_216, %mul3A_217 : i32
    %sub3A_219 = arith.subi %add3A_192, %mul3A_218 : i32
    %mul3A_220 = arith.constant 256 : i32
    %mul3A_221 = arith.muli %sub3A_219, %mul3A_220 : i32
    %dma_start3A_222 = arith.constant 0 : i32
    %dma_start3A_223 = tpu.memref_slice %arg3[%select_n3A_216, %mul3A_221, %dma_start3A_222] : memref<26x16384x128xf32, #tpu.memory_space<hbm>> -> memref<1x256x128xf32, #tpu.memory_space<hbm>>
    %dma_start3A_224 = tpu.memref_squeeze %dma_start3A_223 : memref<1x256x128xf32, #tpu.memory_space<hbm>> -> memref<256x128xf32, #tpu.memory_space<hbm>>
    %dma_start3A_225 = arith.constant 0 : i32
    %dma_start3A_226 = tpu.memref_slice %arg3[%select_n3A_216, %mul3A_221, %dma_start3A_225] : memref<26x16384x128xf32, #tpu.memory_space<hbm>> -> memref<1x256x128xf32, #tpu.memory_space<hbm>>
    %dma_start3A_227 = tpu.memref_squeeze %dma_start3A_226 : memref<1x256x128xf32, #tpu.memory_space<hbm>> -> memref<256x128xf32, #tpu.memory_space<hbm>>
    tpu.enqueue_dma source(%arg6 : memref<256x128xf32, #tpu.memory_space<vmem>>) target(%dma_start3A_227 : memref<256x128xf32, #tpu.memory_space<hbm>>) target_semaphore(%arg9 : memref<!tpu.dma_semaphore, #tpu.memory_space<semaphore_mem>>)
    %scan3A_228 = arith.constant 0 : i32
    %scan3A_229 = arith.constant 25 : i32
    %scan3A_230 = arith.addi %scan3A_228, %scan3A_229 : i32
    %scan3A_231 = arith.constant 1 : i32
    scf.for %scan3A_251 = %scan3A_228 to %scan3A_230 step %scan3A_231  : i32 {
      %mul3A_252 = arith.constant 2 : i32
      %mul3A_253 = arith.muli %scan3A_251, %mul3A_252 : i32
      %add3A_254 = arith.constant 2 : i32
      %add3A_255 = arith.addi %add3A_254, %mul3A_253 : i32
      %add3A_256 = arith.addi %mul3A_2, %add3A_255 : i32
      %add3A_257 = arith.constant 0 : i32
      %add3A_258 = arith.addi %add3A_256, %add3A_257 : i32
      %dma_wait3A_259 = arith.constant 0 : i32
      %dma_wait3A_260 = arith.constant 0 : i32
      %dma_wait3A_261 = arith.constant 0 : i32
      %dma_wait3A_262 = tpu.memref_slice %arg3[%dma_wait3A_259, %dma_wait3A_260, %dma_wait3A_261] : memref<26x16384x128xf32, #tpu.memory_space<hbm>> -> memref<1x256x128xf32, #tpu.memory_space<hbm>>
      %dma_wait3A_263 = tpu.memref_squeeze %dma_wait3A_262 : memref<1x256x128xf32, #tpu.memory_space<hbm>> -> memref<256x128xf32, #tpu.memory_space<hbm>>
      %dma_wait3A_264 = arith.constant 0 : i32
      %dma_wait3A_265 = arith.constant 0 : i32
      %dma_wait3A_266 = tpu.memref_slice %arg3[%dma_wait3A_259, %dma_wait3A_264, %dma_wait3A_265] : memref<26x16384x128xf32, #tpu.memory_space<hbm>> -> memref<1x256x128xf32, #tpu.memory_space<hbm>>
      %dma_wait3A_267 = tpu.memref_squeeze %dma_wait3A_266 : memref<1x256x128xf32, #tpu.memory_space<hbm>> -> memref<256x128xf32, #tpu.memory_space<hbm>>
      tpu.wait_dma2 semaphore(%arg8 : memref<!tpu.dma_semaphore, #tpu.memory_space<semaphore_mem>>) src(%arg5 : memref<256x128xf32, #tpu.memory_space<vmem>>) dst(%dma_wait3A_267 : memref<256x128xf32, #tpu.memory_space<hbm>>)
      %sub3A_268 = arith.constant 2 : i32
      %sub3A_269 = arith.subi %add3A_258, %sub3A_268 : i32
      %jit3A_270 = arith.constant 64 : i32
      %div3A_271 = arith.divsi %sub3A_269, %jit3A_270 : i32
      %sign3A_272 = arith.constant 0 : i32
      %sign3A_273 = arith.cmpi sgt, %sub3A_269, %sign3A_272 : i32
      %sign3A_274 = arith.extui %sign3A_273 : i1 to i32
      %sign3A_275 = arith.constant 0 : i32
      %sign3A_276 = arith.cmpi slt, %sub3A_269, %sign3A_275 : i32
      %sign3A_277 = arith.extui %sign3A_276 : i1 to i32
      %sign3A_278 = arith.subi %sign3A_274, %sign3A_277 : i32
      %sign3A_279 = arith.constant 0 : i32
      %sign3A_280 = arith.cmpi sgt, %jit3A_270, %sign3A_279 : i32
      %sign3A_281 = arith.extui %sign3A_280 : i1 to i32
      %sign3A_282 = arith.constant 0 : i32
      %sign3A_283 = arith.cmpi slt, %jit3A_270, %sign3A_282 : i32
      %sign3A_284 = arith.extui %sign3A_283 : i1 to i32
      %sign3A_285 = arith.subi %sign3A_281, %sign3A_284 : i32
      %ne3A_286 = arith.cmpi ne, %sign3A_278, %sign3A_285 : i32
      %rem3A_287 = arith.remsi %sub3A_269, %jit3A_270 : i32
      %ne3A_288 = arith.constant 0 : i32
      %ne3A_289 = arith.cmpi ne, %rem3A_287, %ne3A_288 : i32
      %and3A_290 = arith.andi %ne3A_286, %ne3A_289 : i1
      %sub3A_291 = arith.constant 1 : i32
      %sub3A_292 = arith.subi %div3A_271, %sub3A_291 : i32
      %select_n3A_293 = arith.select %and3A_290, %sub3A_292, %div3A_271 : i32
      %mul3A_294 = arith.constant 64 : i32
      %mul3A_295 = arith.muli %select_n3A_293, %mul3A_294 : i32
      %sub3A_296 = arith.subi %sub3A_269, %mul3A_295 : i32
      %mul3A_297 = arith.constant 256 : i32
      %mul3A_298 = arith.muli %sub3A_296, %mul3A_297 : i32
      %scan3A_299 = arith.constant 0 : i32
      %scan3A_300 = arith.constant 16 : i32
      %scan3A_301 = arith.addi %scan3A_299, %scan3A_300 : i32
      %scan3A_302 = arith.constant 1 : i32
      scf.for %scan3A_490 = %scan3A_299 to %scan3A_301 step %scan3A_302  : i32 {
        %mul3A_491 = arith.constant 1 : i32
        %mul3A_492 = arith.muli %scan3A_490, %mul3A_491 : i32
        %add3A_493 = arith.constant 0 : i32
        %add3A_494 = arith.addi %add3A_493, %mul3A_492 : i32
        %sub3A_495 = arith.subi %select_n3A_293, %select_n3A : i32
        %mul3A_496 = arith.constant 16 : i32
        %mul3A_497 = arith.muli %add3A_494, %mul3A_496 : i32
        %add3A_498 = arith.addi %mul3A_298, %mul3A_497 : i32
        %get3A = arith.index_cast %sub3A_495 : i32 to index
        %get3A_499 = arith.index_cast %add3A_498 : i32 to index
        %get3A_500 = tpu.vector_load %arg4[%get3A, %get3A_499] {strides = array<i32>} : memref<2x16384xi32, #tpu.memory_space<vmem>>, vector<16xi32>,
        %mul3A_501 = arith.constant 16 : i32
        %mul3A_502 = arith.muli %add3A_494, %mul3A_501 : i32
        %add3A_503 = vector.broadcast %mul3A_502 : i32 to vector<16xi32>
        %add3A_504 = arith.addi %iota3A, %add3A_503 : vector<16xi32>
        tpu.vector_store_idx %arg5[%add3A_504, %get3A_500], %broadcast_in_dim3A_47 : memref<256x128xf32, #tpu.memory_space<vmem>>[vector<16xi32>, vector<16xi32>], vector<16xf32>,
      }
      %scan3A_303 = arith.constant 16 : i32
      %jit3A_304 = arith.constant 64 : i32
      %div3A_305 = arith.divsi %add3A_258, %jit3A_304 : i32
      %sign3A_306 = arith.constant 0 : i32
      %sign3A_307 = arith.cmpi sgt, %add3A_258, %sign3A_306 : i32
      %sign3A_308 = arith.extui %sign3A_307 : i1 to i32
      %sign3A_309 = arith.constant 0 : i32
      %sign3A_310 = arith.cmpi slt, %add3A_258, %sign3A_309 : i32
      %sign3A_311 = arith.extui %sign3A_310 : i1 to i32
      %sign3A_312 = arith.subi %sign3A_308, %sign3A_311 : i32
      %sign3A_313 = arith.constant 0 : i32
      %sign3A_314 = arith.cmpi sgt, %jit3A_304, %sign3A_313 : i32
      %sign3A_315 = arith.extui %sign3A_314 : i1 to i32
      %sign3A_316 = arith.constant 0 : i32
      %sign3A_317 = arith.cmpi slt, %jit3A_304, %sign3A_316 : i32
      %sign3A_318 = arith.extui %sign3A_317 : i1 to i32
      %sign3A_319 = arith.subi %sign3A_315, %sign3A_318 : i32
      %ne3A_320 = arith.cmpi ne, %sign3A_312, %sign3A_319 : i32
      %rem3A_321 = arith.remsi %add3A_258, %jit3A_304 : i32
      %ne3A_322 = arith.constant 0 : i32
      %ne3A_323 = arith.cmpi ne, %rem3A_321, %ne3A_322 : i32
      %and3A_324 = arith.andi %ne3A_320, %ne3A_323 : i1
      %sub3A_325 = arith.constant 1 : i32
      %sub3A_326 = arith.subi %div3A_305, %sub3A_325 : i32
      %select_n3A_327 = arith.select %and3A_324, %sub3A_326, %div3A_305 : i32
      %mul3A_328 = arith.constant 64 : i32
      %mul3A_329 = arith.muli %select_n3A_327, %mul3A_328 : i32
      %sub3A_330 = arith.subi %add3A_258, %mul3A_329 : i32
      %mul3A_331 = arith.constant 256 : i32
      %mul3A_332 = arith.muli %sub3A_330, %mul3A_331 : i32
      %scan3A_333 = arith.constant 0 : i32
      %scan3A_334 = arith.constant 16 : i32
      %scan3A_335 = arith.addi %scan3A_333, %scan3A_334 : i32
      %scan3A_336 = arith.constant 1 : i32
      scf.for %scan3A_490 = %scan3A_333 to %scan3A_335 step %scan3A_336  : i32 {
        %mul3A_491 = arith.constant 1 : i32
        %mul3A_492 = arith.muli %scan3A_490, %mul3A_491 : i32
        %add3A_493 = arith.constant 0 : i32
        %add3A_494 = arith.addi %add3A_493, %mul3A_492 : i32
        %sub3A_495 = arith.subi %select_n3A_327, %select_n3A : i32
        %mul3A_496 = arith.constant 16 : i32
        %mul3A_497 = arith.muli %add3A_494, %mul3A_496 : i32
        %add3A_498 = arith.addi %mul3A_332, %mul3A_497 : i32
        %get3A = arith.index_cast %sub3A_495 : i32 to index
        %get3A_499 = arith.index_cast %add3A_498 : i32 to index
        %get3A_500 = tpu.vector_load %arg4[%get3A, %get3A_499] {strides = array<i32>} : memref<2x16384xi32, #tpu.memory_space<vmem>>, vector<16xi32>,
        %mul3A_501 = arith.constant 16 : i32
        %mul3A_502 = arith.muli %add3A_494, %mul3A_501 : i32
        %add3A_503 = vector.broadcast %mul3A_502 : i32 to vector<16xi32>
        %add3A_504 = arith.addi %iota3A, %add3A_503 : vector<16xi32>
        tpu.vector_store_idx %arg5[%add3A_504, %get3A_500], %broadcast_in_dim3A_49 : memref<256x128xf32, #tpu.memory_space<vmem>>[vector<16xi32>, vector<16xi32>], vector<16xf32>,
      }
      %scan3A_337 = arith.constant 16 : i32
      %jit3A_338 = arith.constant 64 : i32
      %div3A_339 = arith.divsi %add3A_258, %jit3A_338 : i32
      %sign3A_340 = arith.constant 0 : i32
      %sign3A_341 = arith.cmpi sgt, %add3A_258, %sign3A_340 : i32
      %sign3A_342 = arith.extui %sign3A_341 : i1 to i32
      %sign3A_343 = arith.constant 0 : i32
      %sign3A_344 = arith.cmpi slt, %add3A_258, %sign3A_343 : i32
      %sign3A_345 = arith.extui %sign3A_344 : i1 to i32
      %sign3A_346 = arith.subi %sign3A_342, %sign3A_345 : i32
      %sign3A_347 = arith.constant 0 : i32
      %sign3A_348 = arith.cmpi sgt, %jit3A_338, %sign3A_347 : i32
      %sign3A_349 = arith.extui %sign3A_348 : i1 to i32
      %sign3A_350 = arith.constant 0 : i32
      %sign3A_351 = arith.cmpi slt, %jit3A_338, %sign3A_350 : i32
      %sign3A_352 = arith.extui %sign3A_351 : i1 to i32
      %sign3A_353 = arith.subi %sign3A_349, %sign3A_352 : i32
      %ne3A_354 = arith.cmpi ne, %sign3A_346, %sign3A_353 : i32
      %rem3A_355 = arith.remsi %add3A_258, %jit3A_338 : i32
      %ne3A_356 = arith.constant 0 : i32
      %ne3A_357 = arith.cmpi ne, %rem3A_355, %ne3A_356 : i32
      %and3A_358 = arith.andi %ne3A_354, %ne3A_357 : i1
      %sub3A_359 = arith.constant 1 : i32
      %sub3A_360 = arith.subi %div3A_339, %sub3A_359 : i32
      %select_n3A_361 = arith.select %and3A_358, %sub3A_360, %div3A_339 : i32
      %mul3A_362 = arith.constant 64 : i32
      %mul3A_363 = arith.muli %select_n3A_361, %mul3A_362 : i32
      %sub3A_364 = arith.subi %add3A_258, %mul3A_363 : i32
      %mul3A_365 = arith.constant 256 : i32
      %mul3A_366 = arith.muli %sub3A_364, %mul3A_365 : i32
      %dma_start3A_367 = arith.constant 0 : i32
      %dma_start3A_368 = tpu.memref_slice %arg3[%select_n3A_361, %mul3A_366, %dma_start3A_367] : memref<26x16384x128xf32, #tpu.memory_space<hbm>> -> memref<1x256x128xf32, #tpu.memory_space<hbm>>
      %dma_start3A_369 = tpu.memref_squeeze %dma_start3A_368 : memref<1x256x128xf32, #tpu.memory_space<hbm>> -> memref<256x128xf32, #tpu.memory_space<hbm>>
      %dma_start3A_370 = arith.constant 0 : i32
      %dma_start3A_371 = tpu.memref_slice %arg3[%select_n3A_361, %mul3A_366, %dma_start3A_370] : memref<26x16384x128xf32, #tpu.memory_space<hbm>> -> memref<1x256x128xf32, #tpu.memory_space<hbm>>
      %dma_start3A_372 = tpu.memref_squeeze %dma_start3A_371 : memref<1x256x128xf32, #tpu.memory_space<hbm>> -> memref<256x128xf32, #tpu.memory_space<hbm>>
      tpu.enqueue_dma source(%arg5 : memref<256x128xf32, #tpu.memory_space<vmem>>) target(%dma_start3A_372 : memref<256x128xf32, #tpu.memory_space<hbm>>) target_semaphore(%arg8 : memref<!tpu.dma_semaphore, #tpu.memory_space<semaphore_mem>>)
      %add3A_373 = arith.addi %mul3A_2, %add3A_255 : i32
      %add3A_374 = arith.constant 1 : i32
      %add3A_375 = arith.addi %add3A_373, %add3A_374 : i32
      %dma_wait3A_376 = arith.constant 0 : i32
      %dma_wait3A_377 = arith.constant 0 : i32
      %dma_wait3A_378 = arith.constant 0 : i32
      %dma_wait3A_379 = tpu.memref_slice %arg3[%dma_wait3A_376, %dma_wait3A_377, %dma_wait3A_378] : memref<26x16384x128xf32, #tpu.memory_space<hbm>> -> memref<1x256x128xf32, #tpu.memory_space<hbm>>
      %dma_wait3A_380 = tpu.memref_squeeze %dma_wait3A_379 : memref<1x256x128xf32, #tpu.memory_space<hbm>> -> memref<256x128xf32, #tpu.memory_space<hbm>>
      %dma_wait3A_381 = arith.constant 0 : i32
      %dma_wait3A_382 = arith.constant 0 : i32
      %dma_wait3A_383 = tpu.memref_slice %arg3[%dma_wait3A_376, %dma_wait3A_381, %dma_wait3A_382] : memref<26x16384x128xf32, #tpu.memory_space<hbm>> -> memref<1x256x128xf32, #tpu.memory_space<hbm>>
      %dma_wait3A_384 = tpu.memref_squeeze %dma_wait3A_383 : memref<1x256x128xf32, #tpu.memory_space<hbm>> -> memref<256x128xf32, #tpu.memory_space<hbm>>
      tpu.wait_dma2 semaphore(%arg9 : memref<!tpu.dma_semaphore, #tpu.memory_space<semaphore_mem>>) src(%arg6 : memref<256x128xf32, #tpu.memory_space<vmem>>) dst(%dma_wait3A_384 : memref<256x128xf32, #tpu.memory_space<hbm>>)
      %sub3A_385 = arith.constant 2 : i32
      %sub3A_386 = arith.subi %add3A_375, %sub3A_385 : i32
      %jit3A_387 = arith.constant 64 : i32
      %div3A_388 = arith.divsi %sub3A_386, %jit3A_387 : i32
      %sign3A_389 = arith.constant 0 : i32
      %sign3A_390 = arith.cmpi sgt, %sub3A_386, %sign3A_389 : i32
      %sign3A_391 = arith.extui %sign3A_390 : i1 to i32
      %sign3A_392 = arith.constant 0 : i32
      %sign3A_393 = arith.cmpi slt, %sub3A_386, %sign3A_392 : i32
      %sign3A_394 = arith.extui %sign3A_393 : i1 to i32
      %sign3A_395 = arith.subi %sign3A_391, %sign3A_394 : i32
      %sign3A_396 = arith.constant 0 : i32
      %sign3A_397 = arith.cmpi sgt, %jit3A_387, %sign3A_396 : i32
      %sign3A_398 = arith.extui %sign3A_397 : i1 to i32
      %sign3A_399 = arith.constant 0 : i32
      %sign3A_400 = arith.cmpi slt, %jit3A_387, %sign3A_399 : i32
      %sign3A_401 = arith.extui %sign3A_400 : i1 to i32
      %sign3A_402 = arith.subi %sign3A_398, %sign3A_401 : i32
      %ne3A_403 = arith.cmpi ne, %sign3A_395, %sign3A_402 : i32
      %rem3A_404 = arith.remsi %sub3A_386, %jit3A_387 : i32
      %ne3A_405 = arith.constant 0 : i32
      %ne3A_406 = arith.cmpi ne, %rem3A_404, %ne3A_405 : i32
      %and3A_407 = arith.andi %ne3A_403, %ne3A_406 : i1
      %sub3A_408 = arith.constant 1 : i32
      %sub3A_409 = arith.subi %div3A_388, %sub3A_408 : i32
      %select_n3A_410 = arith.select %and3A_407, %sub3A_409, %div3A_388 : i32
      %mul3A_411 = arith.constant 64 : i32
      %mul3A_412 = arith.muli %select_n3A_410, %mul3A_411 : i32
      %sub3A_413 = arith.subi %sub3A_386, %mul3A_412 : i32
      %mul3A_414 = arith.constant 256 : i32
      %mul3A_415 = arith.muli %sub3A_413, %mul3A_414 : i32
      %scan3A_416 = arith.constant 0 : i32
      %scan3A_417 = arith.constant 16 : i32
      %scan3A_418 = arith.addi %scan3A_416, %scan3A_417 : i32
      %scan3A_419 = arith.constant 1 : i32
      scf.for %scan3A_490 = %scan3A_416 to %scan3A_418 step %scan3A_419  : i32 {
        %mul3A_491 = arith.constant 1 : i32
        %mul3A_492 = arith.muli %scan3A_490, %mul3A_491 : i32
        %add3A_493 = arith.constant 0 : i32
        %add3A_494 = arith.addi %add3A_493, %mul3A_492 : i32
        %sub3A_495 = arith.subi %select_n3A_410, %select_n3A : i32
        %mul3A_496 = arith.constant 16 : i32
        %mul3A_497 = arith.muli %add3A_494, %mul3A_496 : i32
        %add3A_498 = arith.addi %mul3A_415, %mul3A_497 : i32
        %get3A = arith.index_cast %sub3A_495 : i32 to index
        %get3A_499 = arith.index_cast %add3A_498 : i32 to index
        %get3A_500 = tpu.vector_load %arg4[%get3A, %get3A_499] {strides = array<i32>} : memref<2x16384xi32, #tpu.memory_space<vmem>>, vector<16xi32>,
        %mul3A_501 = arith.constant 16 : i32
        %mul3A_502 = arith.muli %add3A_494, %mul3A_501 : i32
        %add3A_503 = vector.broadcast %mul3A_502 : i32 to vector<16xi32>
        %add3A_504 = arith.addi %iota3A, %add3A_503 : vector<16xi32>
        tpu.vector_store_idx %arg6[%add3A_504, %get3A_500], %broadcast_in_dim3A_47 : memref<256x128xf32, #tpu.memory_space<vmem>>[vector<16xi32>, vector<16xi32>], vector<16xf32>,
      }
      %scan3A_420 = arith.constant 16 : i32
      %jit3A_421 = arith.constant 64 : i32
      %div3A_422 = arith.divsi %add3A_375, %jit3A_421 : i32
      %sign3A_423 = arith.constant 0 : i32
      %sign3A_424 = arith.cmpi sgt, %add3A_375, %sign3A_423 : i32
      %sign3A_425 = arith.extui %sign3A_424 : i1 to i32
      %sign3A_426 = arith.constant 0 : i32
      %sign3A_427 = arith.cmpi slt, %add3A_375, %sign3A_426 : i32
      %sign3A_428 = arith.extui %sign3A_427 : i1 to i32
      %sign3A_429 = arith.subi %sign3A_425, %sign3A_428 : i32
      %sign3A_430 = arith.constant 0 : i32
      %sign3A_431 = arith.cmpi sgt, %jit3A_421, %sign3A_430 : i32
      %sign3A_432 = arith.extui %sign3A_431 : i1 to i32
      %sign3A_433 = arith.constant 0 : i32
      %sign3A_434 = arith.cmpi slt, %jit3A_421, %sign3A_433 : i32
      %sign3A_435 = arith.extui %sign3A_434 : i1 to i32
      %sign3A_436 = arith.subi %sign3A_432, %sign3A_435 : i32
      %ne3A_437 = arith.cmpi ne, %sign3A_429, %sign3A_436 : i32
      %rem3A_438 = arith.remsi %add3A_375, %jit3A_421 : i32
      %ne3A_439 = arith.constant 0 : i32
      %ne3A_440 = arith.cmpi ne, %rem3A_438, %ne3A_439 : i32
      %and3A_441 = arith.andi %ne3A_437, %ne3A_440 : i1
      %sub3A_442 = arith.constant 1 : i32
      %sub3A_443 = arith.subi %div3A_422, %sub3A_442 : i32
      %select_n3A_444 = arith.select %and3A_441, %sub3A_443, %div3A_422 : i32
      %mul3A_445 = arith.constant 64 : i32
      %mul3A_446 = arith.muli %select_n3A_444, %mul3A_445 : i32
      %sub3A_447 = arith.subi %add3A_375, %mul3A_446 : i32
      %mul3A_448 = arith.constant 256 : i32
      %mul3A_449 = arith.muli %sub3A_447, %mul3A_448 : i32
      %scan3A_450 = arith.constant 0 : i32
      %scan3A_451 = arith.constant 16 : i32
      %scan3A_452 = arith.addi %scan3A_450, %scan3A_451 : i32
      %scan3A_453 = arith.constant 1 : i32
      scf.for %scan3A_490 = %scan3A_450 to %scan3A_452 step %scan3A_453  : i32 {
        %mul3A_491 = arith.constant 1 : i32
        %mul3A_492 = arith.muli %scan3A_490, %mul3A_491 : i32
        %add3A_493 = arith.constant 0 : i32
        %add3A_494 = arith.addi %add3A_493, %mul3A_492 : i32
        %sub3A_495 = arith.subi %select_n3A_444, %select_n3A : i32
        %mul3A_496 = arith.constant 16 : i32
        %mul3A_497 = arith.muli %add3A_494, %mul3A_496 : i32
        %add3A_498 = arith.addi %mul3A_449, %mul3A_497 : i32
        %get3A = arith.index_cast %sub3A_495 : i32 to index
        %get3A_499 = arith.index_cast %add3A_498 : i32 to index
        %get3A_500 = tpu.vector_load %arg4[%get3A, %get3A_499] {strides = array<i32>} : memref<2x16384xi32, #tpu.memory_space<vmem>>, vector<16xi32>,
        %mul3A_501 = arith.constant 16 : i32
        %mul3A_502 = arith.muli %add3A_494, %mul3A_501 : i32
        %add3A_503 = vector.broadcast %mul3A_502 : i32 to vector<16xi32>
        %add3A_504 = arith.addi %iota3A, %add3A_503 : vector<16xi32>
        tpu.vector_store_idx %arg6[%add3A_504, %get3A_500], %broadcast_in_dim3A_49 : memref<256x128xf32, #tpu.memory_space<vmem>>[vector<16xi32>, vector<16xi32>], vector<16xf32>,
      }
      %scan3A_454 = arith.constant 16 : i32
      %jit3A_455 = arith.constant 64 : i32
      %div3A_456 = arith.divsi %add3A_375, %jit3A_455 : i32
      %sign3A_457 = arith.constant 0 : i32
      %sign3A_458 = arith.cmpi sgt, %add3A_375, %sign3A_457 : i32
      %sign3A_459 = arith.extui %sign3A_458 : i1 to i32
      %sign3A_460 = arith.constant 0 : i32
      %sign3A_461 = arith.cmpi slt, %add3A_375, %sign3A_460 : i32
      %sign3A_462 = arith.extui %sign3A_461 : i1 to i32
      %sign3A_463 = arith.subi %sign3A_459, %sign3A_462 : i32
      %sign3A_464 = arith.constant 0 : i32
      %sign3A_465 = arith.cmpi sgt, %jit3A_455, %sign3A_464 : i32
      %sign3A_466 = arith.extui %sign3A_465 : i1 to i32
      %sign3A_467 = arith.constant 0 : i32
      %sign3A_468 = arith.cmpi slt, %jit3A_455, %sign3A_467 : i32
      %sign3A_469 = arith.extui %sign3A_468 : i1 to i32
      %sign3A_470 = arith.subi %sign3A_466, %sign3A_469 : i32
      %ne3A_471 = arith.cmpi ne, %sign3A_463, %sign3A_470 : i32
      %rem3A_472 = arith.remsi %add3A_375, %jit3A_455 : i32
      %ne3A_473 = arith.constant 0 : i32
      %ne3A_474 = arith.cmpi ne, %rem3A_472, %ne3A_473 : i32
      %and3A_475 = arith.andi %ne3A_471, %ne3A_474 : i1
      %sub3A_476 = arith.constant 1 : i32
      %sub3A_477 = arith.subi %div3A_456, %sub3A_476 : i32
      %select_n3A_478 = arith.select %and3A_475, %sub3A_477, %div3A_456 : i32
      %mul3A_479 = arith.constant 64 : i32
      %mul3A_480 = arith.muli %select_n3A_478, %mul3A_479 : i32
      %sub3A_481 = arith.subi %add3A_375, %mul3A_480 : i32
      %mul3A_482 = arith.constant 256 : i32
      %mul3A_483 = arith.muli %sub3A_481, %mul3A_482 : i32
      %dma_start3A_484 = arith.constant 0 : i32
      %dma_start3A_485 = tpu.memref_slice %arg3[%select_n3A_478, %mul3A_483, %dma_start3A_484] : memref<26x16384x128xf32, #tpu.memory_space<hbm>> -> memref<1x256x128xf32, #tpu.memory_space<hbm>>
      %dma_start3A_486 = tpu.memref_squeeze %dma_start3A_485 : memref<1x256x128xf32, #tpu.memory_space<hbm>> -> memref<256x128xf32, #tpu.memory_space<hbm>>
      %dma_start3A_487 = arith.constant 0 : i32
      %dma_start3A_488 = tpu.memref_slice %arg3[%select_n3A_478, %mul3A_483, %dma_start3A_487] : memref<26x16384x128xf32, #tpu.memory_space<hbm>> -> memref<1x256x128xf32, #tpu.memory_space<hbm>>
      %dma_start3A_489 = tpu.memref_squeeze %dma_start3A_488 : memref<1x256x128xf32, #tpu.memory_space<hbm>> -> memref<256x128xf32, #tpu.memory_space<hbm>>
      tpu.enqueue_dma source(%arg6 : memref<256x128xf32, #tpu.memory_space<vmem>>) target(%dma_start3A_489 : memref<256x128xf32, #tpu.memory_space<hbm>>) target_semaphore(%arg9 : memref<!tpu.dma_semaphore, #tpu.memory_space<semaphore_mem>>)
    }
    %scan3A_232 = arith.constant 25 : i32
    %dma_wait3A_233 = arith.constant 0 : i32
    %dma_wait3A_234 = arith.constant 0 : i32
    %dma_wait3A_235 = arith.constant 0 : i32
    %dma_wait3A_236 = tpu.memref_slice %arg3[%dma_wait3A_233, %dma_wait3A_234, %dma_wait3A_235] : memref<26x16384x128xf32, #tpu.memory_space<hbm>> -> memref<1x256x128xf32, #tpu.memory_space<hbm>>
    %dma_wait3A_237 = tpu.memref_squeeze %dma_wait3A_236 : memref<1x256x128xf32, #tpu.memory_space<hbm>> -> memref<256x128xf32, #tpu.memory_space<hbm>>
    %dma_wait3A_238 = arith.constant 0 : i32
    %dma_wait3A_239 = arith.constant 0 : i32
    %dma_wait3A_240 = tpu.memref_slice %arg3[%dma_wait3A_233, %dma_wait3A_238, %dma_wait3A_239] : memref<26x16384x128xf32, #tpu.memory_space<hbm>> -> memref<1x256x128xf32, #tpu.memory_space<hbm>>
    %dma_wait3A_241 = tpu.memref_squeeze %dma_wait3A_240 : memref<1x256x128xf32, #tpu.memory_space<hbm>> -> memref<256x128xf32, #tpu.memory_space<hbm>>
    tpu.wait_dma2 semaphore(%arg8 : memref<!tpu.dma_semaphore, #tpu.memory_space<semaphore_mem>>) src(%arg5 : memref<256x128xf32, #tpu.memory_space<vmem>>) dst(%dma_wait3A_241 : memref<256x128xf32, #tpu.memory_space<hbm>>)
    %dma_wait3A_242 = arith.constant 0 : i32
    %dma_wait3A_243 = arith.constant 0 : i32
    %dma_wait3A_244 = arith.constant 0 : i32
    %dma_wait3A_245 = tpu.memref_slice %arg3[%dma_wait3A_242, %dma_wait3A_243, %dma_wait3A_244] : memref<26x16384x128xf32, #tpu.memory_space<hbm>> -> memref<1x256x128xf32, #tpu.memory_space<hbm>>
    %dma_wait3A_246 = tpu.memref_squeeze %dma_wait3A_245 : memref<1x256x128xf32, #tpu.memory_space<hbm>> -> memref<256x128xf32, #tpu.memory_space<hbm>>
    %dma_wait3A_247 = arith.constant 0 : i32
    %dma_wait3A_248 = arith.constant 0 : i32
    %dma_wait3A_249 = tpu.memref_slice %arg3[%dma_wait3A_242, %dma_wait3A_247, %dma_wait3A_248] : memref<26x16384x128xf32, #tpu.memory_space<hbm>> -> memref<1x256x128xf32, #tpu.memory_space<hbm>>
    %dma_wait3A_250 = tpu.memref_squeeze %dma_wait3A_249 : memref<1x256x128xf32, #tpu.memory_space<hbm>> -> memref<256x128xf32, #tpu.memory_space<hbm>>
    tpu.wait_dma2 semaphore(%arg9 : memref<!tpu.dma_semaphore, #tpu.memory_space<semaphore_mem>>) src(%arg6 : memref<256x128xf32, #tpu.memory_space<vmem>>) dst(%dma_wait3A_250 : memref<256x128xf32, #tpu.memory_space<hbm>>)
    return
  }
}

</mosaic_0001>

<sc_bundles>
// kernel: kernel.3.cloned.1.call-start
scs
__scs_entry_jumppad:
0x0: {  	(pc) =	sbr.rel $0x88, $3  }
0x1: {  	(tag) =	ssettag $0x0;
	lr =	simm.s32 $0x1  }
0x2: {  	[smem:$0x3FA0] =	sst lr;
	_ =	strace $0xD0000000  }
0x3: {  	_ = 	snop  }
0x4: {  	_ = 	snop  }
0x5: {  	_ = 	snop  }
0x6: {  	_ = 	snop  }
0x7: {  	_ = 	snop  }
__scs_overlays_trampoline_lowered:
0x8: {  	[smem:$0x3FAF] =	sst s0  }
0x9: {  	[smem:$0x3FB0] =	sst s1  }
0xa: {  	[smem:$0x3FB1] =	sst s2  }
0xb: {  	[smem:$0x3FB2] =	sst s3  }
0xc: {  	[smem:$0x3FB3] =	sst s4  }
0xd: {  	[smem:$0x3FB4] =	sst s5  }
0xe: {  	[smem:$0x3FB5] =	sst s6  }
0xf: {  	[smem:$0x3FB6] =	sst s7  }
0x10: {  	[smem:$0x3FB7] =	sst s8  }
0x11: {  	[smem:$0x3FB8] =	sst s9;
	s0 =	simm.s32 @!p0 $0x0  }
0x12: {  	s1 =	sld [smem:$0x3F9E];
	s0 =	simm.s32 @p0 $0x1  }
0x13: {  	[smem:$0x3FB9] =	sst s0;
	s0 =	simm.s32 @!p1 $0x0  }
0x14: {  	s2 =	sld [smem:$0x3F9D];
	s0 =	simm.s32 @p1 $0x1  }
0x15: {  	[smem:$0x3FBA] =	sst s0;
	s0 =	simm.s32 @!p2 $0x0  }
0x16: {  	s3 =	sld [smem:$0x3FDB];
	s0 =	simm.s32 @p2 $0x1  }
0x17: {  	s4 =	simm.s32 $0x1BF5;
	[smem:$0x3FBC] =	sst s0  }
0x18: {  	s0 =	sld [smem:$0x3F9F];
	_ =	swait.ge [sflag:s4], $0x0  }
0x19: {  	s7 =	sld [smem:$0x3FA0]  }
0x1a: {  	s8 =	sadd.s32 $0xFFFFE003, lr  }
0x1b: {  	s9 =	sadd.s32 $0xFFFFFEF7, lr;
	s5 =	simm.s32 $0xFFFFFFFF;
	p2 =	slt.u32 s8, $0xFFFFF086  }
0x1c: {  	p1 =	slt.u32 s9, $0xF7A;
	s5 =	simm.s32 @!p2 $0x0  }
0x1d: {  	s5 =	simm.s32 @p1 $0x1;
	p0 =	seq.s32 s7, s2  }
0x1e: {  	s7 =	smul.u32 @!p0 $0xF7A, s2;
	p2 =	seq.s32 @!p0 s5, $0x0  }
0x1f: {  	s9 =	smul.u32 $0xF7A, s1;
	s8 =	simm.s32 @!p0 $0x1BF5;
	p2 =	por !p2, p0  }
0x20: {  	[sflag:s8] =	ssyncset.s32 @!p0 $0xFFFFF086;
	s6 =	sadd.s32 @!p0 s3, s7;
	s7 =	simm.s32 @!p0 $0x108  }
0x21: {  	s3 =	sadd.s32 s3, s9;
	s6 =	sadd.s32 @!p0 $0x88, s6;
	s7 =	simm.s32 @p2 $0x1082  }
0x22: {  	[simem:s7], [sflag:s8] =	dma.local @!p0 [hbm:s6], $0xF7A  }
0x23: {  	s9 =	sor.u32 $0xD0000000, s2;
	s6 =	simm.s32 $0x108;
	_ =	swait.ge @!p0 [sflag:s8], $0x0  }
0x24: {  	s3 =	sadd.s32 $0x88, s3;
	s6 =	simm.s32 @!p1 $0x1082;
	[sflag:s4] =	ssyncset.s32 $0xFFFFF086  }
0x25: {  	[simem:s6], [sflag:s4] =	dma.local [hbm:s3], $0xF7A  }
0x26: {  	[smem:$0x3FA0] =	sst s1;
	(tag) =	ssettag s2;
	_ =	strace s9  }
0x27: {  	s1 =	sld [smem:$0x3FB0]  }
0x28: {  	s2 =	sld [smem:$0x3FB1]  }
0x29: {  	s4 =	sld [smem:$0x3FB3]  }
0x2a: {  	p0 =	seq.s32 s5, $0x0;
	s5 =	sld [smem:$0x3FB4]  }
0x2b: {  	s6 =	sld [smem:$0x3FB5]  }
0x2c: {  	s7 =	sld [smem:$0x3FB6]  }
0x2d: {  	s3 =	simm.s32 $0x108;
	s8 =	sld [smem:$0x3FB7]  }
0x2e: {  	s3 =	simm.s32 @!p0 $0x1082;
	s9 =	sld [smem:$0x3FB8]  }
0x2f: {  	lr =	sadd.s32 s0, s3;
	s0 =	sld [smem:$0x3FAF]  }
0x30: {  	s3 =	sld [smem:$0x3FB2]  }
0x31: {  	[smem:$0x3FBB] =	sst s10  }
0x32: {  	s10 =	sld [smem:$0x3FB9];
	_ =	sdelay $0x3  }
0x33: {  	p0 =	seq.s32 s10, $0x1;
	s10 =	sld [smem:$0x3FBB];
	_ =	sdelay $0x3  }
0x34: {  	[smem:$0x3FBB] =	sst s10  }
0x35: {  	s10 =	sld [smem:$0x3FBA];
	_ =	sdelay $0x3  }
0x36: {  	p1 =	seq.s32 s10, $0x1;
	s10 =	sld [smem:$0x3FBB];
	_ =	sdelay $0x3  }
0x37: {  	[smem:$0x3FBB] =	sst s10  }
0x38: {  	s10 =	sld [smem:$0x3FBC]  }
0x39: {  	_ = 	snop;
	(pc) =	sbr.ind lr, $3  }
0x3a: {  	_ = 	snop  }
0x3b: {  	_ = 	snop  }
0x3c: {  	p2 =	seq.s32 s10, $0x1;
	s10 =	sld [smem:$0x3FBB]  }
0x3d: {  	_ =	shalt  }
0x3e: {  	_ =	shalt  }
0x3f: {  	_ =	shalt  }
0x40: {  	_ =	shalt  }
0x41: {  	_ =	shalt  }
0x42: {  	_ =	shalt  }
0x43: {  	_ =	shalt  }
0x44: {  	_ =	shalt  }
0x45: {  	_ =	shalt  }
0x46: {  	_ =	shalt  }
0x47: {  	_ =	shalt  }
0x48: {  	_ =	shalt  }
0x49: {  	_ =	shalt  }
0x4a: {  	_ =	shalt  }
0x4b: {  	_ =	shalt  }
0x4c: {  	_ =	shalt  }
0x4d: {  	_ =	shalt  }
0x4e: {  	_ =	shalt  }
0x4f: {  	_ =	shalt  }
0x50: {  	_ =	shalt  }
0x51: {  	_ =	shalt  }
0x52: {  	_ =	shalt  }
0x53: {  	_ =	shalt  }
0x54: {  	_ =	shalt  }
0x55: {  	_ =	shalt  }
0x56: {  	_ =	shalt  }
0x57: {  	_ =	shalt  }
0x58: {  	_ =	shalt  }
0x59: {  	_ =	shalt  }
0x5a: {  	_ =	shalt  }
0x5b: {  	_ =	shalt  }
0x5c: {  	_ =	shalt  }
0x5d: {  	_ =	shalt  }
0x5e: {  	_ =	shalt  }
0x5f: {  	_ =	shalt  }
0x60: {  	_ =	shalt  }
0x61: {  	_ =	shalt  }
0x62: {  	_ =	shalt  }
0x63: {  	_ =	shalt  }
0x64: {  	_ =	shalt  }
0x65: {  	_ =	shalt  }
0x66: {  	_ =	shalt  }
0x67: {  	_ =	shalt  }
0x68: {  	_ =	shalt  }
0x69: {  	_ =	shalt  }
0x6a: {  	_ =	shalt  }
0x6b: {  	_ =	shalt  }
0x6c: {  	_ =	shalt  }
0x6d: {  	_ =	shalt  }
0x6e: {  	_ =	shalt  }
0x6f: {  	_ =	shalt  }
0x70: {  	_ =	shalt  }
0x71: {  	_ =	shalt  }
0x72: {  	_ =	shalt  }
0x73: {  	_ =	shalt  }
0x74: {  	_ =	shalt  }
0x75: {  	_ =	shalt  }
0x76: {  	_ =	shalt  }
0x77: {  	_ =	shalt  }
0x78: {  	_ =	shalt  }
0x79: {  	_ =	shalt  }
0x7a: {  	_ =	shalt  }
0x7b: {  	_ =	shalt  }
0x7c: {  	_ =	shalt  }
0x7d: {  	_ =	shalt  }
0x7e: {  	_ =	shalt  }
0x7f: {  	_ =	shalt  }
0x80: {  	_ =	shalt  }
0x81: {  	_ =	shalt  }
0x82: {  	_ =	shalt  }
0x83: {  	_ =	shalt  }
0x84: {  	_ =	shalt  }
0x85: {  	_ =	shalt  }
0x86: {  	_ =	shalt  }
0x87: {  	_ =	shalt  }
.Lfunc_end0:
.L_simem_size_0:
called_computation_lowered:
.L_overlay_start_0:
0x88: {  	s2 =	sld [smem:$0x3FD9]  }
0x89: {  	s3 =	sld [smem:$0x3FFE];
	_ =	sdelay $0x1  }
0x8a: {  	s1 =	srdreg.scid  }
0x8b: {  	s0 =	sand.u32 $0x1, s1  }
0x8c: {  	s18 =	sshll.u32 s0, $0xA;
	s2 =	sadd.s32 s3, s2  }
0x8d: {  	s2 =	sadd.s32 s2, s18  }
0x8e: {  	[smem:$0x3FC7] =	sst s2  }
0x8f: {  	_ = 	snop  }
0x90: {  	s2 =	sld [smem:$0x3FC9]  }
0x91: {  	s19 =	sld [smem:$0x3FD0];
	(tm) =	ssettm $0x1  }
0x92: {  	s4 =	sld [smem:$0x3FFB];
	_ =	sdelay $0x3  }
0x93: {  	_ =	strace s4  }
0x94: {  	s4 =	sld [smem:$0x3FFC];
	_ =	sdelay $0x3  }
0x95: {  	_ =	strace s4  }
0x96: {  	s4 =	sld [smem:$0x3FFD];
	_ =	sdelay $0x3  }
0x97: {  	_ =	strace s4  }
0x98: {  	_ =	strace $0x8FFFFFFF  }
0x99: {  	s20 =	sld [smem:$0x3FDB];
	_ =	sdelay $0x1  }
0x9a: {  	s5 =	simm.s32 $_scs_section_size  }
0x9b: {  	s6 =	simm.s32 $_size__tile_overlayer_lowered;
	s7 =	simm.s32 $_tile_overlayer_lowered  }
0x9c: {  	s23 =	simm.s32 $0x1BFF;
	s22 =	sshll.u32 s7, $0x1;
	s4 =	sadd.s32 s5, s20  }
0x9d: {  	s8 =	simm.s32 $0x0;
	s21 =	sshll.u32 s6, $0x1;
	s6 =	sadd.s32 s22, s4  }
0x9e: {  	[timem:s8], [sflag:s23] =	dma.local [hbm:s6], s21  }
0x9f: {  	_ =	swait.ge [sflag:s23], s21  }
0xa0: {  	s5 =	ssub.s32 $0x0, s21;
	[sflag:s23] =	ssyncset.done $0x0  }
0xa1: {  	[sflag:s23] =	ssyncadd.s32 s5;
	_ =	sdelay $0x1  }
0xa2: {  	s24 =	simm.s32 $0x1B8B  }
0xa3: {  	_ =	swait.ge [sflag:s24], $0x1  }
0xa4: {  	[sflag:s24] =	ssyncset.done $0x0  }
0xa5: {  	s25 =	simm.s32 $0x1B8E;
	[sflag:s24] =	ssyncadd.s32 $0xFFFFFFFF  }
0xa6: {  	s26 =	simm.s32 $execute0_lowered;
	[smem:$0x3FD2] =	sst s25  }
0xa7: {  	s5 =	sshll.u32 s26, $0x1;
	_ =	strace $0x80000046;
	[dreg:$0x1] =	wrdreg $0xFFFFFFFF  }
0xa8: {  	s28 =	simm.s32 $_size_execute0_lowered;
	s4 =	sadd.s32 s4, s5;
	[dreg:$0x0] =	wrdreg $0x0  }
0xa9: {  	s5 =	sshll.u32 s28, $0x1;
	[dreg:$0x2] =	wrdreg s4  }
0xaa: {  	[dreg:$0x3] =	wrdreg s5  }
0xab: {  	[dreg:$0x4] =	wrdreg $0xC0  }
0xac: {  	_ =	task [dreg:s8], $0x5FFFF  }
0xad: {  	[dreg:$0x1] =	wrdreg $0xFFFFFFFF  }
0xae: {  	[dreg:$0x0] =	wrdreg $0x60  }
0xaf: {  	[dreg:$0x2] =	wrdreg s2  }
0xb0: {  	[dreg:$0x3] =	wrdreg s19  }
0xb1: {  	[dreg:$0x4] =	wrdreg $0x9  }
0xb2: {  	_ =	task.clear_ibuf [dreg:s8], $0x5FFFF;
	_ =	strace $0x90000046  }
0xb3: {  	s29 =	simm.s32 $0x9;
	_ =	strace $0x80000048  }
0xb4: {  	_ =	swait.ge [sflag:s29], $0x1  }
0xb5: {  	[sflag:s29] =	ssyncadd.s32 $0xFFFFFFFF  }
0xb6: {  	_ =	strace $0x90000048  }
0xb7: {  	_ =	sfence  }
0xb8: {  	s30 =	sld [smem:$0x0];
	_ =	sdelay $0x2  }
0xb9: {  	s31 =	sshll.u32 s1, $0xD;
	s1 =	sshrl.u32 s1, $0x2  }
0xba: {  	s3 =	sand.u32 $0x4000, s31;
	s1 =	sadd.s32 s1, s30  }
0xbb: {  	s0 =	sor.u32 s3, s0;
	s1 =	sshll.u32 s1, $0x11  }
0xbc: {  	s0 =	sor.u32 s1, s0  }
0xbd: {  	s0 =	sadd.s32 $0x8F2B, s0  }
0xbe: {  	[sflag:s0] =	ssyncadd.remote.s32 $0x1  }
0xbf: {  	_ =	sfence.sel $0xFFFF  }
0xc0: {  	[dreg:$0x0] =	wrdreg $0xFFFFFFFF;
	(pc) =	sbr.abs _section_cstart, $3  }
0xc1: {  	[dreg:$0x1] =	wrdreg $0xFFFFFFFF  }
0xc2: {  	_ =	task.clear_ibuf [dreg:s8], $0x2FFFF;
	_ =	strace $0x9FFFFFFF  }
0xc3: {  	(tm) =	ssettm $0x7FFFFFFF  }
tec
execute0_lowered:
.L_overlay_start_1:
0x0: {  	(tag) =	ssettag $0x1  }
0x1: {  	s0 =	srdreg.scid  }
0x2: {  	s4 =	stileid.u32;
	s1 =	rddreg [dreg:$0x0]  }
0x3: {  	s21 =	rddreg [dreg:$0x1];
	s3 =	simm.s32 $0x0;
	s11 =	smul.u32 $0x68, s4  }
0x4: {  	s28 =	simm.s32 $0x0;
	s0 =	sand.u32 $0x1, s0;
	s18 =	smul.u32 $0x6800, s4  }
0x5: {  	s2 =	sshll.u32 s4, $0x1;
	[smem:$0x7FF] =	sst s3;
	s22 =	smul.u32 $0xD000, s4  }
0x6: {  	s2 =	sor.u32 s0, s2;
	s6 =	ssub.s32 $0x2, s0;
	s12 =	smul.u32 $0x34, s0  }
0x7: {  	_ =	strace $0x80000047;
	s14 =	smul.u32 $0x34, s2;
	s10 =	sshrl.u32 s6, $0x1  }
0x8: {  	s2 =	smul.u32 $0x3400, s2;
	s10 =	ssub.s32 s6, s10;
	s11 =	sadd.s32 s12, s11  }
0x9: {  	s5 =	sshrl.u32 s14, $0x6;
	s9 =	sshll.u32 s14, $0x1;
	[dreg:$0x3] =	wrdreg s14  }
0xa: {  	s20 =	sshll.u32 s11, $0x8;
	s23 =	sor.u32 $0x2, s14;
	[dreg:$0x4] =	wrdreg s11  }
0xb: {  	s25 =	smax.u32 s10, $0x1;
	s26 =	sor.u32 $0x2, s11;
	[dreg:$0x7] =	wrdreg s23  }
0xc: {  	s29 =	sor.u32 $0x1, s11;
	s7 =	smin.u32 s5, $0x18;
	[dreg:$0x9] =	wrdreg s25  }
0xd: {  	s8 =	sshll.u32 s5, $0xE;
	s17 =	sshll.u32 s5, $0x15;
	[dreg:$0xc] =	wrdreg s26  }
0xe: {  	[dreg:$0xd] =	wrdreg s29;
	s31 =	sshll.u32 s29, $0x9;
	s23 =	simm.s32 $0x10000  }
0xf: {  	s25 =	simm.s32 $0x3;
	s7 =	sadd.s32 $0x1, s7;
	s9 =	sor.u32 s9, s8  }
0x10: {  	s16 =	ssub.s32 s2, s8;
	s2 =	sor.u32 $0x100, s2;
	[dreg:$0xf] =	wrdreg s31  }
0x11: {  	s13 =	sand.u32 $0x7FFE0380, s9;
	s15 =	sshll.u32 s7, $0x4;
	s7 =	sshll.u32 s7, $0xB  }
0x12: {  	s2 =	ssub.s32 s2, s8;
	s6 =	sshrl.u32 s13, $0x3;
	s13 =	smul.u32 $0x3400, s0  }
0x13: {  	s9 =	sand.u32 $0x70, s15;
	s2 =	sshll.u32 s2, $0x7;
	s0 =	smul.u32 $0x6800, s0  }
0x14: {  	s9 =	sadd.s32 s1, s9;
	s6 =	sadd.s32 s1, s6;
	s1 =	sshll.u32 s16, $0x7  }
0x15: {  	s19 =	sadd.s32 s17, s2;
	s2 =	sand.u32 $0xFC000, s20;
	s1 =	sadd.s32 s17, s1  }
0x16: {  	s8 =	sadd.s32 s13, s18;
	s0 =	sadd.s32 s0, s22;
	s1 =	sshrl.u32 s1, $0x3  }
0x17: {  	s2 =	ssub.s32 s8, s2;
	[dreg:$0xb] =	wrdreg s0;
	s1 =	sadd.s32 s21, s1  }
0x18: {  	s30 =	sshll.u32 s8, $0x1;
	s24 =	sshll.u32 s2, $0x1;
	[dreg:$0x5] =	wrdreg s1  }
0x19: {  	s0 =	sor.u32 $0x600, s30;
	s1 =	sshrl.u32 s19, $0x3;
	[dreg:$0x8] =	wrdreg s24  }
0x1a: {  	s7 =	sand.u32 $0x1C000, s7;
	[dreg:$0x10] =	wrdreg s0;
	s1 =	sadd.s32 s21, s1  }
0x1b: {  	s7 =	sadd.s32 s7, s9;
	[dreg:$0x6] =	wrdreg s1;
	s1 =	sor.u32 $0x200, s24  }
0x1c: {  	v1 =	vlaneseq.u32;
	s22 =	simm.s32 $0x8000;
	[dreg:$0xa] =	wrdreg s1;
	s1 =	sshll.u32 s26, $0x9  }
0x1d: {  	v0 =	vimm.f32 $0.0e+00;
	v2 =	vimm.f32 $1.000000000e+00;
	v1 =	vmul.u32 $0x80, v1;
	s24 =	simm.s32 $0x2;
	[dreg:$0xe] =	wrdreg s1;
	s1 =	simm.s32 $0x0  }
.LBB2_1:
0x1e: {  	[dreg:$0x11] =	wrdreg s1;
	s0 =	simm.s32 $0x80  }
0x1f: {  	s2 =	sadd.s32 $0x0, s6;
	s1 =	simm.s32 $0x100;
	s8 =	simm.s32 $0x0  }
.LBB2_2:
0x20: {  	[tilespmem:s8], [sflag:$0x1] =	stream.linear.gather [hbm4b:s2+s3], $0x80, $0x38;
	[tilespmem:$0x18000] =	vst v63  }
0x21: {  	s2 =	smov.u32 s0;
	s8 =	smov.u32 s1;
	p0 =	sne.s32 s0, $0x3F80  }
.Ltmp0:
0x22: {  	s0 =	sadd.s32 $0x80, s0;
	(pc) =	sbr.rel @p0 .LBB2_2-.Ltmp0, $2  }
0x23: {  	_ =	sdelay $0x2  }
0x24: {  	s1 =	sadd.s32 $0x100, s1;
	s2 =	sadd.s32 s2, s6  }
0x25: {  	[tilespmem:s8], [sflag:$0x1] =	stream.linear.gather [hbm4b:s2+s3], $0x80, $0x38;
	[tilespmem:$0x18000] =	vst v63  }
0x26: {  	s0 =	simm.s32 $0x0;
	s1 =	simm.s32 $0x80  }
0x27: {  	s8 =	simm.s32 $0x80;
	s2 =	sadd.s32 $0x0, s7;
	s9 =	simm.s32 $0x180  }
.LBB2_4:
0x28: {  	[tilespmem:s1], [sflag:$0x1] =	stream.linear.gather [hbm4b:s2+s0], $0x80, $0x38;
	[tilespmem:$0x18000] =	vst v63  }
0x29: {  	s2 =	smov.u32 s8;
	s1 =	smov.u32 s9;
	p0 =	sne.s32 s8, $0x3F80  }
.Ltmp1:
0x2a: {  	s8 =	sadd.s32 $0x80, s8;
	(pc) =	sbr.rel @p0 .LBB2_4-.Ltmp1, $2  }
0x2b: {  	_ =	sdelay $0x2  }
0x2c: {  	s9 =	sadd.s32 $0x100, s9;
	s2 =	sadd.s32 s2, s7  }
0x2d: {  	[tilespmem:s1], [sflag:$0x1] =	stream.linear.gather [hbm4b:s2+s0], $0x80, $0x38;
	[tilespmem:$0x18000] =	vst v63  }
0x2e: {  	s0 =	simm.s32 $0x0;
	s1 =	simm.s32 $0x200  }
.LBB2_6:
0x2f: {  	p0 =	sne.s32 s1, $0x1FE00;
	[tilespmem:s0+$0x8070] =	vst v0  }
0x30: {  	[tilespmem:s0+$0x8000] =	vst v0  }
0x31: {  	[tilespmem:s0+$0x8010] =	vst v0  }
.Ltmp2:
0x32: {  	[tilespmem:s0+$0x8020] =	vst v0;
	(pc) =	sbr.rel @p0 .LBB2_6-.Ltmp2, $4  }
0x33: {  	[tilespmem:s0+$0x8030] =	vst v0  }
0x34: {  	[tilespmem:s0+$0x8040] =	vst v0  }
0x35: {  	[tilespmem:s0+$0x8050] =	vst v0  }
0x36: {  	[tilespmem:s0+$0x8060] =	vst v0;
	s0 =	sshra.s32 s1, $0x2;
	s1 =	sadd.s32 $0x200, s1  }
0x37: {  	[tilespmem:s0+$0x8070] =	vst v0  }
0x38: {  	[tilespmem:s0+$0x8000] =	vst v0  }
0x39: {  	[tilespmem:s0+$0x8010] =	vst v0  }
0x3a: {  	[tilespmem:s0+$0x8020] =	vst v0  }
0x3b: {  	[tilespmem:s0+$0x8030] =	vst v0  }
0x3c: {  	[tilespmem:s0+$0x8040] =	vst v0  }
0x3d: {  	[tilespmem:s0+$0x8050] =	vst v0  }
0x3e: {  	[tilespmem:s0+$0x8060] =	vst v0;
	s8 =	simm.s32 $0x1  }
0x3f: {  	_ =	swait.ge [sflag:s8], $0x4000  }
0x40: {  	[sflag:s8] =	ssyncset.done $0x0  }
0x41: {  	[sflag:s8] =	ssyncadd.s32 $0xFFFFC000  }
0x42: {  	_ =	swait.ge [sflag:s8], $0x4000  }
0x43: {  	s31 =	simm.s32 $0x0;
	s4 =	rddreg [dreg:$0x8]  }
0x44: {  	s1 =	sand.u32 $0x70, s31;
	[sflag:s8] =	ssyncset.done $0x0;
	s2 =	sand.u32 $0xFFFFF900, s4  }
0x45: {  	[sflag:s8] =	ssyncadd.s32 $0xFFFFC000;
	s1 =	sor.u32 s1, s2  }
0x46: {  	v3 =	vld [tilespmem:s1+$0x0];
	_ =	sdelay $0x2  }
0x47: {  	v4 =	vmov s31  }
0x48: {  	v4 =	vshll.u32 v4, $0x7  }
0x49: {  	v4 =	vor.u32 v1, v4;
	v5 =	vand.u32 $0xFFFFFF80, v3  }
0x4a: {  	v3 =	vand.u32 $0x7F, v3;
	v4 =	vadd.s32 v4, v5  }
0x4b: {  	v3 =	vor.u32 v3, v4;
	_ =	sdelay $0x2  }
0x4c: {  	s0 =	simm.s32 $0x10;
	s1 =	sadd.s32 $0x20, s4  }
0x4d: {  	s9 =	sand.u32 $0x70, s0;
	s8 =	simm.s32 $0x20;
	s2 =	sand.u32 $0xFFFFF900, s1  }
.LBB2_8:
0x4e: {  	p0 =	sne.s32 s8, $0xF0;
	s2 =	sor.u32 s9, s2;
	[tilespmem:v3+s22+$0x0] =	vst.idx.msk $0xffff, v2  }
0x4f: {  	v3 =	vld [tilespmem:s2+$0x0];
	_ =	sdelay $0x2  }
0x50: {  	v4 =	vmov s0;
	s0 =	smov.u32 s8  }
0x51: {  	v4 =	vshll.u32 v4, $0x7  }
0x52: {  	v4 =	vor.u32 v1, v4;
	v5 =	vand.u32 $0xFFFFFF80, v3  }
0x53: {  	v3 =	vand.u32 $0x7F, v3;
	v4 =	vadd.s32 v4, v5  }
.Ltmp3:
0x54: {  	v3 =	vor.u32 v3, v4;
	(pc) =	sbr.rel @p0 .LBB2_8-.Ltmp3, $3  }
0x55: {  	_ =	sdelay $0x1  }
0x56: {  	s1 =	sadd.s32 $0x20, s1  }
0x57: {  	s8 =	sadd.s32 $0x10, s8;
	s9 =	sand.u32 $0x70, s0;
	s2 =	sand.u32 $0xFFFFF900, s1  }
0x58: {  	_ =	sdelay $0x3  }
0x59: {  	s1 =	sor.u32 s9, s2;
	[tilespmem:v3+s22+$0x0] =	vst.idx.msk $0xffff, v2  }
0x5a: {  	v3 =	vld [tilespmem:s1+$0x0];
	_ =	sdelay $0x2  }
0x5b: {  	v4 =	vmov s0  }
0x5c: {  	v4 =	vshll.u32 v4, $0x7  }
0x5d: {  	v4 =	vor.u32 v1, v4;
	v5 =	vand.u32 $0xFFFFFF80, v3  }
0x5e: {  	v3 =	vand.u32 $0x7F, v3;
	v4 =	vadd.s32 v4, v5  }
0x5f: {  	v3 =	vor.u32 v3, v4;
	_ =	sdelay $0x3  }
0x60: {  	s0 =	simm.s32 $0x0  }
0x61: {  	s31 =	rddreg [dreg:$0x5];
	s8 =	simm.s32 $0x200;
	s1 =	simm.s32 $0x0;
	[tilespmem:v3+s22+$0x0] =	vst.idx.msk $0xffff, v2  }
0x62: {  	[hbm4b:s31+s0] =	stream.linear.scatter [tilespmem:s22], [sflag:$0x2], $0x8000, $0x38;
	[tilespmem:$0x18000] =	vst v63  }
.LBB2_10:
0x63: {  	p0 =	sne.s32 s8, $0x1FE00;
	[tilespmem:s1+$0x10070] =	vst v0  }
0x64: {  	[tilespmem:s1+$0x10000] =	vst v0  }
0x65: {  	[tilespmem:s1+$0x10010] =	vst v0  }
.Ltmp4:
0x66: {  	[tilespmem:s1+$0x10020] =	vst v0;
	(pc) =	sbr.rel @p0 .LBB2_10-.Ltmp4, $4  }
0x67: {  	[tilespmem:s1+$0x10030] =	vst v0  }
0x68: {  	[tilespmem:s1+$0x10040] =	vst v0  }
0x69: {  	[tilespmem:s1+$0x10050] =	vst v0  }
0x6a: {  	[tilespmem:s1+$0x10060] =	vst v0;
	s1 =	sshra.s32 s8, $0x2;
	s8 =	sadd.s32 $0x200, s8  }
0x6b: {  	[tilespmem:s1+$0x10070] =	vst v0  }
0x6c: {  	[tilespmem:s1+$0x10000] =	vst v0  }
0x6d: {  	[tilespmem:s1+$0x10010] =	vst v0  }
0x6e: {  	[tilespmem:s1+$0x10020] =	vst v0  }
0x6f: {  	[tilespmem:s1+$0x10030] =	vst v0  }
0x70: {  	[tilespmem:s1+$0x10040] =	vst v0;
	s4 =	rddreg [dreg:$0xa]  }
0x71: {  	[tilespmem:s1+$0x10050] =	vst v0;
	s2 =	sand.u32 $0x70, s0;
	s8 =	sand.u32 $0xFFFFFB00, s4  }
0x72: {  	[tilespmem:s1+$0x10060] =	vst v0;
	s31 =	sor.u32 s2, s8  }
0x73: {  	v3 =	vld [tilespmem:s31+$0x0];
	_ =	sdelay $0x2  }
0x74: {  	v4 =	vmov s0  }
0x75: {  	v4 =	vshll.u32 v4, $0x7  }
0x76: {  	v4 =	vor.u32 v1, v4;
	v5 =	vand.u32 $0xFFFFFF80, v3  }
0x77: {  	v3 =	vand.u32 $0x7F, v3;
	v4 =	vadd.s32 v4, v5  }
0x78: {  	v3 =	vor.u32 v3, v4;
	_ =	sdelay $0x2  }
0x79: {  	s0 =	simm.s32 $0x10;
	s1 =	sadd.s32 $0x20, s4  }
0x7a: {  	s9 =	sand.u32 $0x70, s0;
	s2 =	sand.u32 $0xFFFFFB00, s1;
	s8 =	simm.s32 $0x20  }
.LBB2_12:
0x7b: {  	p0 =	sne.s32 s8, $0xF0;
	s2 =	sor.u32 s9, s2;
	[tilespmem:v3+s23+$0x0] =	vst.idx.msk $0xffff, v2  }
0x7c: {  	v3 =	vld [tilespmem:s2+$0x0];
	_ =	sdelay $0x2  }
0x7d: {  	v4 =	vmov s0;
	s0 =	smov.u32 s8  }
0x7e: {  	v4 =	vshll.u32 v4, $0x7  }
0x7f: {  	v4 =	vor.u32 v1, v4;
	v5 =	vand.u32 $0xFFFFFF80, v3  }
0x80: {  	v3 =	vand.u32 $0x7F, v3;
	v4 =	vadd.s32 v4, v5  }
.Ltmp5:
0x81: {  	v3 =	vor.u32 v3, v4;
	(pc) =	sbr.rel @p0 .LBB2_12-.Ltmp5, $3  }
0x82: {  	_ =	sdelay $0x1  }
0x83: {  	s1 =	sadd.s32 $0x20, s1  }
0x84: {  	s8 =	sadd.s32 $0x10, s8;
	s9 =	sand.u32 $0x70, s0;
	s2 =	sand.u32 $0xFFFFFB00, s1  }
0x85: {  	_ =	sdelay $0x3  }
0x86: {  	s1 =	sor.u32 s9, s2;
	[tilespmem:v3+s23+$0x0] =	vst.idx.msk $0xffff, v2  }
0x87: {  	v3 =	vld [tilespmem:s1+$0x0];
	_ =	sdelay $0x2  }
0x88: {  	v4 =	vmov s0  }
0x89: {  	v4 =	vshll.u32 v4, $0x7  }
0x8a: {  	s26 =	rddreg [dreg:$0x6];
	v4 =	vor.u32 v1, v4;
	v5 =	vand.u32 $0xFFFFFF80, v3  }
0x8b: {  	s29 =	rddreg [dreg:$0x10];
	v3 =	vand.u32 $0x7F, v3;
	v4 =	vadd.s32 v4, v5  }
0x8c: {  	s30 =	rddreg [dreg:$0xd];
	v3 =	vor.u32 v3, v4  }
0x8d: {  	s31 =	rddreg [dreg:$0xf]  }
0x8e: {  	s16 =	rddreg [dreg:$0xc]  }
0x8f: {  	s18 =	rddreg [dreg:$0xe]  }
0x90: {  	s8 =	rddreg [dreg:$0x4]  }
0x91: {  	s15 =	rddreg [dreg:$0xb];
	s13 =	simm.s32 $0x0;
	[tilespmem:v3+s23+$0x0] =	vst.idx.msk $0xffff, v2  }
0x92: {  	[hbm4b:s26+s28] =	stream.linear.scatter [tilespmem:s23], [sflag:$0x3], $0x8000, $0x38;
	[tilespmem:$0x18000] =	vst v63  }
.LBB2_14:
0x93: {  	s0 =	sshll.u32 s13, $0x1;
	s1 =	rddreg [dreg:$0x3]  }
0x94: {  	s1 =	sadd.s32 s1, s0  }
0x95: {  	s1 =	sshrl.u32 s1, $0x6  }
0x96: {  	s11 =	smov.u32 s21;
	s2 =	sshll.u32 s8, $0x9;
	s1 =	ssub.s32 s1, s5  }
0x97: {  	s2 =	sand.u32 $0xFFFF8000, s2;
	s9 =	sshll.u32 s1, $0xE;
	s1 =	sshll.u32 s1, $0x7  }
0x98: {  	s2 =	ssub.s32 s15, s2;
	s9 =	sand.u32 $0xFFFF8000, s9;
	s1 =	sand.u32 $0x80, s1  }
0x99: {  	_ =	swait.ge [sflag:s24], $0x8000;
	s21 =	sand.u32 $0xFFFFFF00, s2;
	s1 =	sor.u32 s1, s9  }
0x9a: {  	s10 =	sand.u32 $0x70, s28;
	[sflag:s24] =	ssyncset.done $0x0;
	s9 =	sadd.s32 s21, s1  }
0x9b: {  	[sflag:s24] =	ssyncadd.s32 $0xFFFF8000;
	s9 =	sadd.s32 s10, s9  }
0x9c: {  	v3 =	vld [tilespmem:s9+$0x0];
	_ =	sdelay $0x2  }
0x9d: {  	v4 =	vmov s28  }
0x9e: {  	v4 =	vshll.u32 v4, $0x7  }
0x9f: {  	v4 =	vor.u32 v1, v4;
	v5 =	vand.u32 $0xFFFFFF80, v3  }
0xa0: {  	v3 =	vand.u32 $0x7F, v3;
	v4 =	vadd.s32 v4, v5  }
0xa1: {  	v3 =	vor.u32 v3, v4  }
0xa2: {  	s26 =	sshll.u32 s16, $0x9;
	s17 =	sshrl.u32 s30, $0x6;
	s12 =	sadd.s32 $0x20, s2  }
0xa3: {  	s14 =	simm.s32 $0x20;
	s19 =	sand.u32 $0xFFFFFF00, s12;
	s9 =	sand.u32 $0xFFFF8000, s26  }
0xa4: {  	s10 =	ssub.s32 s29, s9;
	s20 =	ssub.s32 s18, s9;
	s9 =	simm.s32 $0x10  }
.LBB2_15:
0xa5: {  	p0 =	sne.s32 s14, $0xF0;
	s2 =	sand.u32 $0x70, s9;
	s19 =	sadd.s32 s19, s1  }
0xa6: {  	s2 =	sadd.s32 s2, s19;
	[tilespmem:v3+s22+$0x0] =	vst.idx.msk $0xffff, v0  }
0xa7: {  	v3 =	vld [tilespmem:s2+$0x0];
	_ =	sdelay $0x2  }
0xa8: {  	v4 =	vmov s9;
	s9 =	smov.u32 s14  }
0xa9: {  	v4 =	vshll.u32 v4, $0x7  }
0xaa: {  	v4 =	vor.u32 v1, v4;
	v5 =	vand.u32 $0xFFFFFF80, v3  }
.Ltmp6:
0xab: {  	v3 =	vand.u32 $0x7F, v3;
	v4 =	vadd.s32 v4, v5;
	(pc) =	sbr.rel @p0 .LBB2_15-.Ltmp6, $3  }
0xac: {  	v3 =	vor.u32 v3, v4;
	_ =	sdelay $0x1  }
0xad: {  	s12 =	sadd.s32 $0x20, s12  }
0xae: {  	s14 =	sadd.s32 $0x10, s14;
	s19 =	sand.u32 $0xFFFFFF00, s12  }
0xaf: {  	_ =	sdelay $0x2  }
0xb0: {  	s2 =	sand.u32 $0x70, s9;
	s1 =	sadd.s32 s19, s1  }
0xb1: {  	[tilespmem:v3+s22+$0x0] =	vst.idx.msk $0xffff, v0;
	s1 =	sadd.s32 s2, s1  }
0xb2: {  	v3 =	vld [tilespmem:s1+$0x0];
	_ =	sdelay $0x2  }
0xb3: {  	v4 =	vmov s9  }
0xb4: {  	s9 =	rddreg [dreg:$0x7];
	v4 =	vshll.u32 v4, $0x7  }
0xb5: {  	s9 =	sadd.s32 s0, s9;
	v4 =	vor.u32 v1, v4;
	v5 =	vand.u32 $0xFFFFFF80, v3  }
0xb6: {  	s14 =	sshrl.u32 s9, $0x6;
	v3 =	vand.u32 $0x7F, v3;
	v4 =	vadd.s32 v4, v5  }
0xb7: {  	s12 =	ssub.s32 s14, s5;
	v3 =	vor.u32 v3, v4  }
0xb8: {  	s19 =	sshll.u32 s12, $0xE;
	s0 =	sshll.u32 s12, $0x7  }
0xb9: {  	s1 =	sand.u32 $0xFFFF8000, s19;
	s0 =	sand.u32 $0x80, s0  }
0xba: {  	s21 =	simm.s32 $0x0;
	s26 =	sand.u32 $0xFFFFFF00, s20;
	s0 =	sor.u32 s0, s1  }
0xbb: {  	s12 =	sand.u32 $0x70, s21;
	s2 =	sadd.s32 s26, s0  }
0xbc: {  	s2 =	sadd.s32 s12, s2;
	[tilespmem:v3+s22+$0x0] =	vst.idx.msk $0xffff, v0  }
0xbd: {  	v3 =	vld [tilespmem:s2+$0x0];
	_ =	sdelay $0x2  }
0xbe: {  	v4 =	vmov s21  }
0xbf: {  	v4 =	vshll.u32 v4, $0x7  }
0xc0: {  	v4 =	vor.u32 v1, v4;
	v5 =	vand.u32 $0xFFFFFF80, v3  }
0xc1: {  	v3 =	vand.u32 $0x7F, v3;
	v4 =	vadd.s32 v4, v5  }
0xc2: {  	v3 =	vor.u32 v3, v4  }
0xc3: {  	s19 =	sshll.u32 s14, $0xE  }
0xc4: {  	s1 =	sshll.u32 s9, $0x8;
	s26 =	simm.s32 $0x20;
	s21 =	sadd.s32 $0x20, s20  }
0xc5: {  	s12 =	ssub.s32 s1, s19;
	s20 =	simm.s32 $0x10;
	s2 =	sand.u32 $0xFFFFFF00, s21  }
.LBB2_17:
0xc6: {  	p0 =	sne.s32 s26, $0xF0;
	s4 =	sand.u32 $0x70, s20;
	s2 =	sadd.s32 s2, s0  }
0xc7: {  	s2 =	sadd.s32 s4, s2;
	[tilespmem:v3+s22+$0x0] =	vst.idx.msk $0xffff, v2  }
0xc8: {  	v3 =	vld [tilespmem:s2+$0x0];
	_ =	sdelay $0x2  }
0xc9: {  	v4 =	vmov s20;
	s20 =	smov.u32 s26  }
0xca: {  	v4 =	vshll.u32 v4, $0x7  }
0xcb: {  	v4 =	vor.u32 v1, v4;
	v5 =	vand.u32 $0xFFFFFF80, v3  }
.Ltmp7:
0xcc: {  	v3 =	vand.u32 $0x7F, v3;
	v4 =	vadd.s32 v4, v5;
	(pc) =	sbr.rel @p0 .LBB2_17-.Ltmp7, $3  }
0xcd: {  	v3 =	vor.u32 v3, v4;
	_ =	sdelay $0x1  }
0xce: {  	s21 =	sadd.s32 $0x20, s21  }
0xcf: {  	s26 =	sadd.s32 $0x10, s26;
	s2 =	sand.u32 $0xFFFFFF00, s21  }
0xd0: {  	_ =	sdelay $0x2  }
0xd1: {  	s4 =	sand.u32 $0x70, s20;
	s2 =	sadd.s32 s2, s0  }
0xd2: {  	[tilespmem:v3+s22+$0x0] =	vst.idx.msk $0xffff, v2;
	s2 =	sadd.s32 s4, s2  }
0xd3: {  	v3 =	vld [tilespmem:s2+$0x0];
	_ =	sdelay $0x2  }
0xd4: {  	v4 =	vmov s20  }
0xd5: {  	v4 =	vshll.u32 v4, $0x7  }
0xd6: {  	v4 =	vor.u32 v1, v4;
	v5 =	vand.u32 $0xFFFFFF80, v3  }
0xd7: {  	v3 =	vand.u32 $0x7F, v3;
	v4 =	vadd.s32 v4, v5  }
0xd8: {  	v3 =	vor.u32 v3, v4;
	_ =	sdelay $0x1  }
0xd9: {  	s20 =	sshll.u32 s14, $0x15;
	s4 =	sshll.u32 s12, $0x7  }
0xda: {  	s2 =	sadd.s32 s20, s4  }
0xdb: {  	s21 =	smov.u32 s11;
	s2 =	sshrl.u32 s2, $0x3  }
0xdc: {  	s12 =	sadd.s32 $0xFFFFFFFF, s9;
	s2 =	sadd.s32 s11, s2;
	s11 =	simm.s32 $0x0;
	[tilespmem:v3+s22+$0x0] =	vst.idx.msk $0xffff, v2  }
0xdd: {  	[hbm4b:s2+s11] =	stream.linear.scatter [tilespmem:s22], [sflag:$0x2], $0x8000, $0x38;
	[tilespmem:$0x18000] =	vst v63  }
0xde: {  	s9 =	sshrl.u32 s12, $0x6;
	s2 =	sshra.s32 s12, $0x1F  }
0xdf: {  	s9 =	sadd.s32 s2, s9  }
0xe0: {  	s2 =	sadd.s32 s17, s2;
	s9 =	ssub.s32 s9, s5  }
0xe1: {  	s2 =	sshll.u32 s2, $0xF;
	s14 =	sshll.u32 s9, $0xE;
	s9 =	sshll.u32 s9, $0x7  }
0xe2: {  	s2 =	ssub.s32 s31, s2;
	s12 =	sand.u32 $0xFFFF8000, s14;
	s9 =	sand.u32 $0x80, s9  }
0xe3: {  	_ =	swait.ge [sflag:s25], $0x8000;
	s17 =	sand.u32 $0xFFFFFF00, s2;
	s9 =	sor.u32 s9, s12  }
0xe4: {  	s26 =	sand.u32 $0x70, s11;
	[sflag:s25] =	ssyncset.done $0x0;
	s12 =	sadd.s32 s17, s9  }
0xe5: {  	[sflag:s25] =	ssyncadd.s32 $0xFFFF8000;
	s12 =	sadd.s32 s26, s12  }
0xe6: {  	v3 =	vld [tilespmem:s12+$0x0];
	_ =	sdelay $0x2  }
0xe7: {  	v4 =	vmov s11  }
0xe8: {  	v4 =	vshll.u32 v4, $0x7  }
0xe9: {  	v4 =	vor.u32 v1, v4;
	v5 =	vand.u32 $0xFFFFFF80, v3  }
0xea: {  	v3 =	vand.u32 $0x7F, v3;
	v4 =	vadd.s32 v4, v5  }
0xeb: {  	v3 =	vor.u32 v3, v4;
	_ =	sdelay $0x1  }
0xec: {  	s14 =	sadd.s32 $0x20, s2  }
0xed: {  	s2 =	sand.u32 $0xFFFFFF00, s14;
	s17 =	simm.s32 $0x20;
	s12 =	simm.s32 $0x10  }
.LBB2_19:
0xee: {  	p0 =	sne.s32 s17, $0xF0;
	s4 =	sand.u32 $0x70, s12;
	s2 =	sadd.s32 s2, s9  }
0xef: {  	s2 =	sadd.s32 s4, s2;
	[tilespmem:v3+s23+$0x0] =	vst.idx.msk $0xffff, v0  }
0xf0: {  	v3 =	vld [tilespmem:s2+$0x0];
	_ =	sdelay $0x2  }
0xf1: {  	v4 =	vmov s12;
	s12 =	smov.u32 s17  }
0xf2: {  	v4 =	vshll.u32 v4, $0x7  }
0xf3: {  	v4 =	vor.u32 v1, v4;
	v5 =	vand.u32 $0xFFFFFF80, v3  }
.Ltmp8:
0xf4: {  	v3 =	vand.u32 $0x7F, v3;
	v4 =	vadd.s32 v4, v5;
	(pc) =	sbr.rel @p0 .LBB2_19-.Ltmp8, $3  }
0xf5: {  	v3 =	vor.u32 v3, v4;
	_ =	sdelay $0x1  }
0xf6: {  	s14 =	sadd.s32 $0x20, s14  }
0xf7: {  	s17 =	sadd.s32 $0x10, s17;
	s2 =	sand.u32 $0xFFFFFF00, s14  }
0xf8: {  	_ =	sdelay $0x2  }
0xf9: {  	s4 =	sand.u32 $0x70, s12;
	s2 =	sadd.s32 s2, s9  }
0xfa: {  	[tilespmem:v3+s23+$0x0] =	vst.idx.msk $0xffff, v0;
	s2 =	sadd.s32 s4, s2  }
0xfb: {  	v3 =	vld [tilespmem:s2+$0x0];
	_ =	sdelay $0x2  }
0xfc: {  	v4 =	vmov s12  }
0xfd: {  	v4 =	vshll.u32 v4, $0x7  }
0xfe: {  	v4 =	vor.u32 v1, v4;
	v5 =	vand.u32 $0xFFFFFF80, v3  }
0xff: {  	v3 =	vand.u32 $0x7F, v3;
	v4 =	vadd.s32 v4, v5  }
0x100: {  	v3 =	vor.u32 v3, v4;
	_ =	sdelay $0x2  }
0x101: {  	s14 =	simm.s32 $0x0;
	s17 =	sand.u32 $0xFFFFFF00, s10  }
0x102: {  	s26 =	sand.u32 $0x70, s14;
	s4 =	sadd.s32 s17, s0  }
0x103: {  	s4 =	sadd.s32 s26, s4;
	[tilespmem:v3+s23+$0x0] =	vst.idx.msk $0xffff, v0  }
0x104: {  	v3 =	vld [tilespmem:s4+$0x0];
	_ =	sdelay $0x2  }
0x105: {  	v4 =	vmov s14  }
0x106: {  	v4 =	vshll.u32 v4, $0x7  }
0x107: {  	v4 =	vor.u32 v1, v4;
	v5 =	vand.u32 $0xFFFFFF80, v3  }
0x108: {  	v3 =	vand.u32 $0x7F, v3;
	v4 =	vadd.s32 v4, v5  }
0x109: {  	v3 =	vor.u32 v3, v4;
	_ =	sdelay $0x1  }
0x10a: {  	s1 =	sor.u32 $0x100, s1;
	s10 =	sadd.s32 $0x20, s10;
	s9 =	simm.s32 $0x10  }
0x10b: {  	s12 =	simm.s32 $0x20;
	s1 =	ssub.s32 s1, s19;
	s2 =	sand.u32 $0xFFFFFF00, s10  }
.LBB2_21:
0x10c: {  	p0 =	sne.s32 s12, $0xF0;
	s4 =	sand.u32 $0x70, s9;
	s2 =	sadd.s32 s2, s0  }
0x10d: {  	s2 =	sadd.s32 s4, s2;
	[tilespmem:v3+s23+$0x0] =	vst.idx.msk $0xffff, v2  }
0x10e: {  	v3 =	vld [tilespmem:s2+$0x0];
	_ =	sdelay $0x2  }
0x10f: {  	v4 =	vmov s9;
	s9 =	smov.u32 s12  }
0x110: {  	v4 =	vshll.u32 v4, $0x7  }
0x111: {  	v4 =	vor.u32 v1, v4;
	v5 =	vand.u32 $0xFFFFFF80, v3  }
.Ltmp9:
0x112: {  	v3 =	vand.u32 $0x7F, v3;
	v4 =	vadd.s32 v4, v5;
	(pc) =	sbr.rel @p0 .LBB2_21-.Ltmp9, $3  }
0x113: {  	v3 =	vor.u32 v3, v4;
	_ =	sdelay $0x1  }
0x114: {  	s10 =	sadd.s32 $0x20, s10  }
0x115: {  	s12 =	sadd.s32 $0x10, s12;
	s2 =	sand.u32 $0xFFFFFF00, s10  }
0x116: {  	_ =	sdelay $0x2  }
0x117: {  	s4 =	sand.u32 $0x70, s9;
	s0 =	sadd.s32 s2, s0  }
0x118: {  	[tilespmem:v3+s23+$0x0] =	vst.idx.msk $0xffff, v2;
	s0 =	sadd.s32 s4, s0  }
0x119: {  	v3 =	vld [tilespmem:s0+$0x0];
	_ =	sdelay $0x2  }
0x11a: {  	v4 =	vmov s9  }
0x11b: {  	v4 =	vshll.u32 v4, $0x7  }
0x11c: {  	v4 =	vor.u32 v1, v4;
	v5 =	vand.u32 $0xFFFFFF80, v3  }
0x11d: {  	v3 =	vand.u32 $0x7F, v3;
	v4 =	vadd.s32 v4, v5  }
0x11e: {  	s13 =	sadd.s32 $0x1, s13;
	v3 =	vor.u32 v3, v4  }
0x11f: {  	p0 =	sne.s32 s13, $0x19  }
.Ltmp10:
0x120: {  	s26 =	sshll.u32 s1, $0x7;
	s15 =	sadd.s32 $0x400, s15;
	(pc) =	sbr.rel @p0 .LBB2_14-.Ltmp10, $4  }
0x121: {  	s8 =	sadd.s32 $0x2, s8;
	s18 =	sadd.s32 $0x400, s18;
	s0 =	sadd.s32 s20, s26  }
0x122: {  	s16 =	sadd.s32 $0x2, s16;
	s31 =	sadd.s32 $0x400, s31;
	s0 =	sshrl.u32 s0, $0x3  }
0x123: {  	s30 =	sadd.s32 $0x2, s30;
	s29 =	sadd.s32 $0x400, s29;
	s0 =	sadd.s32 s21, s0;
	[tilespmem:v3+s23+$0x0] =	vst.idx.msk $0xffff, v2  }
0x124: {  	[hbm4b:s0+s3] =	stream.linear.scatter [tilespmem:s23], [sflag:$0x3], $0x8000, $0x38;
	[tilespmem:$0x18000] =	vst v63  }
0x125: {  	_ =	swait.ge [sflag:s24], $0x8000  }
0x126: {  	[sflag:s24] =	ssyncset.done $0x0  }
0x127: {  	[sflag:s24] =	ssyncadd.s32 $0xFFFF8000  }
0x128: {  	_ =	swait.ge [sflag:s25], $0x8000  }
0x129: {  	s1 =	rddreg [dreg:$0x11]  }
0x12a: {  	s0 =	rddreg [dreg:$0x9];
	s1 =	sadd.s32 $0x1, s1  }
0x12b: {  	p0 =	sne.s32 s1, s0  }
.Ltmp11:
0x12c: {  	_ = 	snop;
	(pc) =	sbr.rel @p0 .LBB2_1-.Ltmp11, $3  }
0x12d: {  	_ =	sdelay $0x1  }
0x12e: {  	[sflag:s25] =	ssyncset.done $0x0  }
0x12f: {  	[sflag:s25] =	ssyncadd.s32 $0xFFFF8000  }
0x130: {  	_ =	sfence.sel $0x180000  }
0x131: {  	[bflag:$0x0] =	sbarrier.arrive $0xFFFF  }
0x132: {  	_ =	strace $0x90000047  }
0x133: {  	s0 =	stileid.u32;
	[bflag:$0x2] =	sbarrier.arrive $0xFFFF  }
0x134: {  	p0 =	sne.s32 s0, $0x0;
	s0 =	rddreg [dreg:$0x2]  }
0x135: {  	s0 =	sadd.s32 @!p0 $0x100000, s0  }
0x136: {  	[sflag:s0] =	ssyncadd.tile.s32 @!p0 $0x1;
	_ =	shalt  }
.Lfunc_end2:
_tile_overlayer_lowered:
.L_overlay_start_2:
0x137: {  	(tag) =	ssettag $0x2  }
0x138: {  	s0 =	rddreg [dreg:$0x0];
	s2 =	stileid.u32  }
0x139: {  	s1 =	rddreg [dreg:$0x1];
	p0 =	sne.s32 s2, $0x0  }
0x13a: {  	s3 =	rddreg [dreg:$0x2];
	[bflag:$0x3] =	sbarrier.arrive $0xFFFF;
	s2 =	simm.s32 @!p0 $0x1C04  }
0x13b: {  	[timem:s3], [sflag:s2] =	dma.local @!p0 [hbm:s0], s1  }
0x13c: {  	s0 =	simm.s32 @!p0 $0x4  }
0x13d: {  	_ =	swait.ge @!p0 [sflag:s0], s1  }
0x13e: {  	s1 =	ssub.s32 @!p0 $0x0, s1;
	[sflag:s0] =	ssyncset.done @!p0 $0x0  }
0x13f: {  	[sflag:s0] =	ssyncadd.s32 @!p0 s1  }
0x140: {  	[bflag:$0x3] =	sbarrier.arrive $0xFFFF  }
0x141: {  	_ =	shalt  }

</sc_bundles>
